<compile_context>
chip_gen: v7x
topology: tpu7x:2x2x1
jax: 0.10.2.dev20260603
libtpu: 0.0.44.dev20260713+nightly
codegen_flags: <defaults>
</compile_context>

<pallas_src>
import dataclasses
import functools

import jax
import jax.numpy as jnp
from jax import lax
from jax.experimental import pallas as pl
from jax.experimental.pallas import tpu as pltpu
from jax.experimental.pallas import tpu_sc as plsc

N_NODES = 10000
D_FEAT = 128
N_HIDDEN = 128
N_LABELS = 16

NC, NS = 2, 16
NW = NC * NS
WROWS = 125
WLANE = 80
EPW = WROWS * WLANE
N_PAD = 10240
SLICE = N_PAD // NS
CHUNK = 16
DST_OFF = NW * EPW

_mesh = plsc.VectorSubcoreMesh(core_axis_name="c", subcore_axis_name="s")

_sc_params = pltpu.CompilerParams()
if "needs_layout_passes" in pltpu.CompilerParams.__dataclass_fields__:
    _sc_params = dataclasses.replace(_sc_params, needs_layout_passes=False)


@functools.partial(
    pl.kernel,
    out_type=jax.ShapeDtypeStruct((NC, N_PAD), jnp.float32),
    mesh=_mesh,
    compiler_params=_sc_params,
    scratch_types=[
        pltpu.VMEM((WROWS, WLANE), jnp.int32),
        pltpu.VMEM((EPW,), jnp.float32),
        pltpu.VMEM((SLICE,), jnp.float32),
        pltpu.VMEM_SHARED((N_PAD,), jnp.float32),
        pltpu.SemaphoreType.DMA,
        pltpu.SemaphoreType.DMA,
    ],
)
def _sc_degree(ei_hbm, out_hbm, idx_v, val_v, zero_v, acc_sh, sem, lsem):
    c = lax.axis_index("c")
    s = lax.axis_index("s")
    g = c * NS + s
    base = g * EPW

    @pl.loop(0, WROWS)
    def _(j):
        pltpu.async_copy(ei_hbm.at[pl.ds(DST_OFF + base + j * WLANE, WLANE)],
                         idx_v.at[j], lsem)

    @pl.loop(0, SLICE // CHUNK)
    def _(i):
        zero_v[pl.ds(i * CHUNK, CHUNK)] = jnp.zeros((CHUNK,), jnp.float32)

    pltpu.sync_copy(zero_v, acc_sh.at[pl.ds(s * SLICE, SLICE)])

    @pl.loop(0, EPW // CHUNK)
    def _(i):
        val_v[pl.ds(i * CHUNK, CHUNK)] = jnp.ones((CHUNK,), jnp.float32)

    @pl.loop(0, WROWS)
    def _(j):
        pltpu.make_async_copy(ei_hbm.at[pl.ds(DST_OFF + base + j * WLANE, WLANE)],
                              idx_v.at[j], lsem).wait()

    plsc.subcore_barrier()

    @pl.loop(0, WROWS)
    def _(j):
        pltpu.async_copy(val_v.at[pl.ds(j * WLANE, WLANE)],
                         acc_sh.at[idx_v.at[j]], sem, add=True)

    @pl.loop(0, WROWS)
    def _(j):
        pltpu.make_async_copy(val_v.at[pl.ds(j * WLANE, WLANE)],
                              acc_sh.at[idx_v.at[j]], sem).wait()

    plsc.subcore_barrier()
    pltpu.sync_copy(acc_sh.at[pl.ds(s * SLICE, SLICE)],
                    out_hbm.at[c, pl.ds(s * SLICE, SLICE)])


def _newton_rsqrt(d):
    half = d * jnp.float32(0.5)
    yi = jnp.int32(0x5F3759DF) - lax.shift_right_logical(
        plsc.bitcast(d, jnp.int32), jnp.int32(1))
    y = plsc.bitcast(yi, jnp.float32)
    for _ in range(3):
        y = y * (jnp.float32(1.5) - half * y * y)
    return y


@functools.partial(
    pl.kernel,
    out_type=(
        jax.ShapeDtypeStruct((NC, N_PAD), jnp.float32),
        jax.ShapeDtypeStruct((N_PAD,), jnp.float32),
    ),
    mesh=_mesh,
    compiler_params=_sc_params,
    scratch_types=[
        pltpu.VMEM((SLICE,), jnp.float32),
        pltpu.VMEM((SLICE,), jnp.float32),
        pltpu.VMEM((SLICE,), jnp.float32),
        pltpu.VMEM((N_PAD,), jnp.float32),
        pltpu.VMEM((EPW,), jnp.int32),
        pltpu.VMEM((WROWS, WLANE), jnp.int32),
        pltpu.VMEM((EPW,), jnp.float32),
        pltpu.VMEM((SLICE,), jnp.float32),
        pltpu.VMEM_SHARED((N_PAD,), jnp.float32),
        pltpu.VMEM_SHARED((N_PAD,), jnp.float32),
        pltpu.SemaphoreType.DMA,
        pltpu.SemaphoreType.DMA,
    ],
)
def _sc_neighbor_sum(degp_hbm, ei_hbm, out_hbm, dinv_hbm,
                     p0_v, p1_v, ds_v, dinv_v, didx_v, sidx_v, val_v,
                     zero_v, dinv_sh, acc_sh, sem, lsem):
    c = lax.axis_index("c")
    s = lax.axis_index("s")
    g = c * NS + s
    base = g * EPW

    @pl.loop(0, WROWS)
    def _(j):
        pltpu.async_copy(ei_hbm.at[pl.ds(base + j * WLANE, WLANE)],
                         sidx_v.at[j], lsem)

    @pl.loop(0, SLICE // CHUNK)
    def _(i):
        zero_v[pl.ds(i * CHUNK, CHUNK)] = jnp.zeros((CHUNK,), jnp.float32)

    pltpu.sync_copy(zero_v, acc_sh.at[pl.ds(s * SLICE, SLICE)])
    pltpu.sync_copy(degp_hbm.at[0, pl.ds(s * SLICE, SLICE)], p0_v)
    pltpu.sync_copy(degp_hbm.at[1, pl.ds(s * SLICE, SLICE)], p1_v)
    pltpu.sync_copy(ei_hbm.at[pl.ds(DST_OFF + base, EPW)], didx_v)

    @pl.loop(0, SLICE // CHUNK)
    def _(i):
        sl = pl.ds(i * CHUNK, CHUNK)
        deg = p0_v[sl] + p1_v[sl] + jnp.float32(1.0)
        ds_v[sl] = _newton_rsqrt(deg)

    pltpu.sync_copy(ds_v, dinv_sh.at[pl.ds(s * SLICE, SLICE)])

    @pl.when(c == 0)
    def _():
        pltpu.sync_copy(ds_v, dinv_hbm.at[pl.ds(s * SLICE, SLICE)])

    plsc.subcore_barrier()
    pltpu.sync_copy(dinv_sh, dinv_v)

    @pl.loop(0, WROWS)
    def _(j):
        pltpu.make_async_copy(ei_hbm.at[pl.ds(base + j * WLANE, WLANE)],
                              sidx_v.at[j], lsem).wait()

    @pl.loop(0, WROWS)
    def _(j):
        @pl.loop(0, WLANE // CHUNK)
        def _(k):
            sl = pl.ds(j * WLANE + k * CHUNK, CHUNK)
            val_v[sl] = plsc.load_gather(dinv_v, [didx_v[sl]])

        pltpu.async_copy(val_v.at[pl.ds(j * WLANE, WLANE)],
                         acc_sh.at[sidx_v.at[j]], sem, add=True)

    @pl.loop(0, WROWS)
    def _(j):
        pltpu.make_async_copy(val_v.at[pl.ds(j * WLANE, WLANE)],
                              acc_sh.at[sidx_v.at[j]], sem).wait()

    plsc.subcore_barrier()
    pltpu.sync_copy(acc_sh.at[pl.ds(s * SLICE, SLICE)],
                    out_hbm.at[c, pl.ds(s * SLICE, SLICE)])


def _tc_head_body(dinv_ref, tp_ref, x_ref, w1_ref, b1_ref, w2_ref, b2_ref,
                  o_ref):
    dinv = dinv_ref[...]
    tp = tp_ref[...]
    cvec = dinv * (dinv + tp[0] + tp[1])
    cmat = cvec[:N_NODES].reshape(1, N_NODES)
    h = lax.dot_general(
        x_ref[...], w1_ref[...], (((1,), (0,)), ((), ())),
        preferred_element_type=jnp.float32,
    )
    pooled = lax.dot_general(
        cmat, h, (((1,), (0,)), ((), ())),
        precision=lax.Precision.HIGHEST,
        preferred_element_type=jnp.float32,
    ) + jnp.float32(N_NODES) * b1_ref[...].reshape(1, N_HIDDEN)
    logits = pooled @ w2_ref[...] + b2_ref[...].reshape(1, N_LABELS)
    o_ref[...] = jax.nn.sigmoid(logits)


_tc_head = pl.pallas_call(
    _tc_head_body,
    out_shape=jax.ShapeDtypeStruct((1, N_LABELS), jnp.float32),
)


def kernel(x, edge_index, W1, b1, W2, b2):
    ei = edge_index.astype(jnp.int32).reshape(-1)

    degp = _sc_degree(ei)
    tp, dinv = _sc_neighbor_sum(degp, ei)
    out = _tc_head(dinv, tp, x, W1, b1, W2, b2)
    return out.reshape(N_LABELS)

# --- scband reference (transcript-rebuilt; emitter-appended) ---
"""Pipeline reference for scband-bdb22-gnn-3006477107823 (READ-ONLY COPY).

The authoritative reference and input builder live on the scoring server;
editing this copy changes nothing except your own understanding.
"""

import jax, jax.numpy as jnp
import numpy as np

N_NODES = 10000
N_EDGES = 320000
D_FEAT = 128
N_HIDDEN = 128
N_LABELS = 16


def setup_inputs(seed: int = 0) -> dict:
    key = jax.random.key(seed)
    k_x, k_e, k_w1, k_b1, k_w2, k_b2 = jax.random.split(key, 6)
    x = jax.random.normal(k_x, (N_NODES, D_FEAT), dtype=jnp.float32)
    edge_index = jax.random.randint(k_e, (2, N_EDGES), 0, N_NODES, dtype=jnp.int64)
    W1 = jax.random.normal(k_w1, (D_FEAT, N_HIDDEN), dtype=jnp.float32) * (1.0 / np.sqrt(D_FEAT))
    b1 = jnp.zeros((N_HIDDEN,), dtype=jnp.float32)
    W2 = jax.random.normal(k_w2, (N_HIDDEN, N_LABELS), dtype=jnp.float32) * (1.0 / np.sqrt(N_HIDDEN))
    b2 = jnp.zeros((N_LABELS,), dtype=jnp.float32)
    return {"x": x, "edge_index": edge_index, "W1": W1, "b1": b1, "W2": W2, "b2": b2}


def reference(x, edge_index, W1, b1, W2, b2):
    # BDB22GNN.call: GCNConv(n_hidden) -> Dropout (identity in eval) -> GlobalSumPool -> Dense(n_labels, sigmoid)
    N = x.shape[0]
    self_loops = jnp.arange(N, dtype=edge_index.dtype)
    src = jnp.concatenate([edge_index[0], self_loops])
    dst = jnp.concatenate([edge_index[1], self_loops])
    # symmetric GCN normalization D^{-1/2} (A+I) D^{-1/2}
    deg = jnp.zeros((N,), dtype=jnp.float32).at[dst].add(1.0)
    dinv = jax.lax.rsqrt(jnp.maximum(deg, 1.0))
    norm = dinv[src] * dinv[dst]
    # GCNConv: A_norm @ (X W1) + b1 (linear activation, Spektral default)
    h = x @ W1
    msg = jnp.take(h, src, axis=0) * norm[:, None]
    out = jnp.zeros((N, h.shape[1]), dtype=h.dtype).at[dst].add(msg)
    out = out + b1
    # Dropout(0.5) -> identity at inference
    # GlobalSumPool: sum over node axis
    pooled = jnp.sum(out, axis=0)
    # Dense(n_labels, sigmoid)
    logits = pooled @ W2 + b2
    return jax.nn.sigmoid(logits)

if __name__ == "__main__":
    import jax
    _d = setup_inputs()
    print(jax.jit(kernel)(*tuple(_d.values())))

</pallas_src>

<mosaic_0001>
#map = affine_map<(d0, d1) -> (0, 0)>
#map1 = affine_map<(d0, d1) -> (0)>
module attributes {stable_mosaic.version = 14 : i64} {
  func.func @_sc_neighbor_sum(%arg0: i32, %arg1: i32, %arg2: memref<2x10240xf32, #tpu.memory_space<hbm>>, %arg3: memref<640000xi32, #tpu.memory_space<hbm>>, %arg4: memref<2x10240xf32, #tpu.memory_space<hbm>>, %arg5: memref<10240xf32, #tpu.memory_space<hbm>>, %arg6: memref<640xf32, #tpu.memory_space<vmem>>, %arg7: memref<640xf32, #tpu.memory_space<vmem>>, %arg8: memref<640xf32, #tpu.memory_space<vmem>>, %arg9: memref<10240xf32, #tpu.memory_space<vmem>>, %arg10: memref<10000xi32, #tpu.memory_space<vmem>>, %arg11: memref<125x80xi32, #tpu.memory_space<vmem>>, %arg12: memref<10000xf32, #tpu.memory_space<vmem>>, %arg13: memref<640xf32, #tpu.memory_space<vmem>>, %arg14: memref<10240xf32, #tpu.memory_space<vmem_shared>>, %arg15: memref<10240xf32, #tpu.memory_space<vmem_shared>>, %arg16: memref<!tpu.dma_semaphore, #tpu.memory_space<semaphore_mem>>, %arg17: memref<!tpu.dma_semaphore, #tpu.memory_space<semaphore_mem>>) attributes {dimension_semantics = [#tpu.dimension_semantics<core_parallel>, #tpu.dimension_semantics<subcore_parallel>], iteration_bounds = array<i64: 2, 16>, scalar_prefetch = 0 : i64, scratch_operands = 12 : i64, tpu.core_type = #tpu.core_type<sc_vector_subcore>, window_params = [{transform_indices = #map}, {transform_indices = #map1}, {transform_indices = #map}, {transform_indices = #map1}]} {
    %mul3A = arith.constant 16 : i32
    %mul3A_0 = arith.muli %arg0, %mul3A : i32
    %add3A = arith.addi %mul3A_0, %arg1 : i32
    %mul3A_1 = arith.constant 10000 : i32
    %mul3A_2 = arith.muli %add3A, %mul3A_1 : i32
    %scan3A = arith.constant 0 : i32
    %scan3A_3 = arith.constant 125 : i32
    %scan3A_4 = arith.addi %scan3A, %scan3A_3 : i32
    %scan3A_5 = arith.constant 1 : i32
    scf.for %scan3A_50 = %scan3A to %scan3A_4 step %scan3A_5  : i32 {
      %mul3A_51 = arith.constant 1 : i32
      %mul3A_52 = arith.muli %scan3A_50, %mul3A_51 : i32
      %add3A_53 = arith.constant 0 : i32
      %add3A_54 = arith.addi %add3A_53, %mul3A_52 : i32
      %mul3A_55 = arith.constant 80 : i32
      %mul3A_56 = arith.muli %add3A_54, %mul3A_55 : i32
      %add3A_57 = arith.addi %mul3A_2, %mul3A_56 : i32
      %dma_start3A = arith.constant 0 : i32
      %dma_start3A_58 = tpu.memref_slice %arg11[%add3A_54, %dma_start3A] : memref<125x80xi32, #tpu.memory_space<vmem>> -> memref<1x80xi32, #tpu.memory_space<vmem>>
      %dma_start3A_59 = tpu.memref_squeeze %dma_start3A_58 : memref<1x80xi32, #tpu.memory_space<vmem>> -> memref<80xi32, #tpu.memory_space<vmem>>
      %dma_start3A_60 = tpu.memref_slice %arg3[%add3A_57] : memref<640000xi32, #tpu.memory_space<hbm>> -> memref<80xi32, #tpu.memory_space<hbm>>
      %dma_start3A_61 = arith.constant 0 : i32
      %dma_start3A_62 = tpu.memref_slice %arg11[%add3A_54, %dma_start3A_61] : memref<125x80xi32, #tpu.memory_space<vmem>> -> memref<1x80xi32, #tpu.memory_space<vmem>>
      %dma_start3A_63 = tpu.memref_squeeze %dma_start3A_62 : memref<1x80xi32, #tpu.memory_space<vmem>> -> memref<80xi32, #tpu.memory_space<vmem>>
      %dma_start3A_64 = tpu.memref_slice %arg3[%add3A_57] : memref<640000xi32, #tpu.memory_space<hbm>> -> memref<80xi32, #tpu.memory_space<hbm>>
      tpu.enqueue_dma source(%dma_start3A_64 : memref<80xi32, #tpu.memory_space<hbm>>) target(%dma_start3A_63 : memref<80xi32, #tpu.memory_space<vmem>>) target_semaphore(%arg17 : memref<!tpu.dma_semaphore, #tpu.memory_space<semaphore_mem>>)
    }
    %scan3A_6 = arith.constant 125 : i32
    %scan3A_7 = arith.constant 0 : i32
    %scan3A_8 = arith.constant 40 : i32
    %scan3A_9 = arith.addi %scan3A_7, %scan3A_8 : i32
    %scan3A_10 = arith.constant 1 : i32
    scf.for %scan3A_50 = %scan3A_7 to %scan3A_9 step %scan3A_10  : i32 {
      %mul3A_51 = arith.constant 1 : i32
      %mul3A_52 = arith.muli %scan3A_50, %mul3A_51 : i32
      %add3A_53 = arith.constant 0 : i32
      %add3A_54 = arith.addi %add3A_53, %mul3A_52 : i32
      %broadcast_in_dim3A = arith.constant 0.000000e+00 : f32
      %broadcast_in_dim3A_55 = vector.broadcast %broadcast_in_dim3A : f32 to vector<16xf32>
      %mul3A_56 = arith.constant 16 : i32
      %mul3A_57 = arith.muli %add3A_54, %mul3A_56 : i32
      %swap3A = arith.index_cast %mul3A_57 : i32 to index
      %swap3A_58 = tpu.vector_load %arg13[%swap3A] {strides = array<i32>} : memref<640xf32, #tpu.memory_space<vmem>>, vector<16xf32>,
      tpu.vector_store %arg13[%swap3A], %broadcast_in_dim3A_55 {strides = array<i32>} : memref<640xf32, #tpu.memory_space<vmem>>, vector<16xf32>,
    }
    %scan3A_11 = arith.constant 40 : i32
    %mul3A_12 = arith.constant 640 : i32
    %mul3A_13 = arith.muli %arg1, %mul3A_12 : i32
    "tpu.region"() ({
      %run_scoped3A_50 = tpu.sem_alloc : memref<!tpu.dma_semaphore, #tpu.memory_space<semaphore_mem>>
      %dma_start3A = tpu.memref_slice %arg15[%mul3A_13] : memref<10240xf32, #tpu.memory_space<vmem_shared>> -> memref<640xf32, #tpu.memory_space<vmem_shared>>
      %dma_start3A_51 = tpu.memref_slice %arg15[%mul3A_13] : memref<10240xf32, #tpu.memory_space<vmem_shared>> -> memref<640xf32, #tpu.memory_space<vmem_shared>>
      tpu.enqueue_dma source(%arg13 : memref<640xf32, #tpu.memory_space<vmem>>) target(%dma_start3A_51 : memref<640xf32, #tpu.memory_space<vmem_shared>>) target_semaphore(%run_scoped3A_50 : memref<!tpu.dma_semaphore, #tpu.memory_space<semaphore_mem>>)
      %dma_wait3A = tpu.memref_slice %arg15[%mul3A_13] : memref<10240xf32, #tpu.memory_space<vmem_shared>> -> memref<640xf32, #tpu.memory_space<vmem_shared>>
      %dma_wait3A_52 = tpu.memref_slice %arg15[%mul3A_13] : memref<10240xf32, #tpu.memory_space<vmem_shared>> -> memref<640xf32, #tpu.memory_space<vmem_shared>>
      tpu.wait_dma2 semaphore(%run_scoped3A_50 : memref<!tpu.dma_semaphore, #tpu.memory_space<semaphore_mem>>) src(%arg13 : memref<640xf32, #tpu.memory_space<vmem>>) dst(%dma_wait3A_52 : memref<640xf32, #tpu.memory_space<vmem_shared>>)
      tpu.yield
    }) : () -> ()
    %mul3A_14 = arith.constant 640 : i32
    %mul3A_15 = arith.muli %arg1, %mul3A_14 : i32
    %run_scoped3A = arith.constant 0 : i32
    "tpu.region"() ({
      %run_scoped3A_50 = tpu.sem_alloc : memref<!tpu.dma_semaphore, #tpu.memory_space<semaphore_mem>>
      %dma_start3A = tpu.memref_slice %arg2[%run_scoped3A, %mul3A_15] : memref<2x10240xf32, #tpu.memory_space<hbm>> -> memref<1x640xf32, #tpu.memory_space<hbm>>
      %dma_start3A_51 = tpu.memref_squeeze %dma_start3A : memref<1x640xf32, #tpu.memory_space<hbm>> -> memref<640xf32, #tpu.memory_space<hbm>>
      %dma_start3A_52 = tpu.memref_slice %arg2[%run_scoped3A, %mul3A_15] : memref<2x10240xf32, #tpu.memory_space<hbm>> -> memref<1x640xf32, #tpu.memory_space<hbm>>
      %dma_start3A_53 = tpu.memref_squeeze %dma_start3A_52 : memref<1x640xf32, #tpu.memory_space<hbm>> -> memref<640xf32, #tpu.memory_space<hbm>>
      tpu.enqueue_dma source(%dma_start3A_53 : memref<640xf32, #tpu.memory_space<hbm>>) target(%arg6 : memref<640xf32, #tpu.memory_space<vmem>>) target_semaphore(%run_scoped3A_50 : memref<!tpu.dma_semaphore, #tpu.memory_space<semaphore_mem>>)
      %dma_wait3A = tpu.memref_slice %arg2[%run_scoped3A, %mul3A_15] : memref<2x10240xf32, #tpu.memory_space<hbm>> -> memref<1x640xf32, #tpu.memory_space<hbm>>
      %dma_wait3A_54 = tpu.memref_squeeze %dma_wait3A : memref<1x640xf32, #tpu.memory_space<hbm>> -> memref<640xf32, #tpu.memory_space<hbm>>
      %dma_wait3A_55 = tpu.memref_slice %arg2[%run_scoped3A, %mul3A_15] : memref<2x10240xf32, #tpu.memory_space<hbm>> -> memref<1x640xf32, #tpu.memory_space<hbm>>
      %dma_wait3A_56 = tpu.memref_squeeze %dma_wait3A_55 : memref<1x640xf32, #tpu.memory_space<hbm>> -> memref<640xf32, #tpu.memory_space<hbm>>
      tpu.wait_dma2 semaphore(%run_scoped3A_50 : memref<!tpu.dma_semaphore, #tpu.memory_space<semaphore_mem>>) src(%dma_wait3A_56 : memref<640xf32, #tpu.memory_space<hbm>>) dst(%arg6 : memref<640xf32, #tpu.memory_space<vmem>>)
      tpu.yield
    }) : () -> ()
    %mul3A_16 = arith.constant 640 : i32
    %mul3A_17 = arith.muli %arg1, %mul3A_16 : i32
    %run_scoped3A_18 = arith.constant 1 : i32
    "tpu.region"() ({
      %run_scoped3A_50 = tpu.sem_alloc : memref<!tpu.dma_semaphore, #tpu.memory_space<semaphore_mem>>
      %dma_start3A = tpu.memref_slice %arg2[%run_scoped3A_18, %mul3A_17] : memref<2x10240xf32, #tpu.memory_space<hbm>> -> memref<1x640xf32, #tpu.memory_space<hbm>>
      %dma_start3A_51 = tpu.memref_squeeze %dma_start3A : memref<1x640xf32, #tpu.memory_space<hbm>> -> memref<640xf32, #tpu.memory_space<hbm>>
      %dma_start3A_52 = tpu.memref_slice %arg2[%run_scoped3A_18, %mul3A_17] : memref<2x10240xf32, #tpu.memory_space<hbm>> -> memref<1x640xf32, #tpu.memory_space<hbm>>
      %dma_start3A_53 = tpu.memref_squeeze %dma_start3A_52 : memref<1x640xf32, #tpu.memory_space<hbm>> -> memref<640xf32, #tpu.memory_space<hbm>>
      tpu.enqueue_dma source(%dma_start3A_53 : memref<640xf32, #tpu.memory_space<hbm>>) target(%arg7 : memref<640xf32, #tpu.memory_space<vmem>>) target_semaphore(%run_scoped3A_50 : memref<!tpu.dma_semaphore, #tpu.memory_space<semaphore_mem>>)
      %dma_wait3A = tpu.memref_slice %arg2[%run_scoped3A_18, %mul3A_17] : memref<2x10240xf32, #tpu.memory_space<hbm>> -> memref<1x640xf32, #tpu.memory_space<hbm>>
      %dma_wait3A_54 = tpu.memref_squeeze %dma_wait3A : memref<1x640xf32, #tpu.memory_space<hbm>> -> memref<640xf32, #tpu.memory_space<hbm>>
      %dma_wait3A_55 = tpu.memref_slice %arg2[%run_scoped3A_18, %mul3A_17] : memref<2x10240xf32, #tpu.memory_space<hbm>> -> memref<1x640xf32, #tpu.memory_space<hbm>>
      %dma_wait3A_56 = tpu.memref_squeeze %dma_wait3A_55 : memref<1x640xf32, #tpu.memory_space<hbm>> -> memref<640xf32, #tpu.memory_space<hbm>>
      tpu.wait_dma2 semaphore(%run_scoped3A_50 : memref<!tpu.dma_semaphore, #tpu.memory_space<semaphore_mem>>) src(%dma_wait3A_56 : memref<640xf32, #tpu.memory_space<hbm>>) dst(%arg7 : memref<640xf32, #tpu.memory_space<vmem>>)
      tpu.yield
    }) : () -> ()
    %add3A_19 = arith.constant 320000 : i32
    %add3A_20 = arith.addi %add3A_19, %mul3A_2 : i32
    "tpu.region"() ({
      %run_scoped3A_50 = tpu.sem_alloc : memref<!tpu.dma_semaphore, #tpu.memory_space<semaphore_mem>>
      %dma_start3A = tpu.memref_slice %arg3[%add3A_20] : memref<640000xi32, #tpu.memory_space<hbm>> -> memref<10000xi32, #tpu.memory_space<hbm>>
      %dma_start3A_51 = tpu.memref_slice %arg3[%add3A_20] : memref<640000xi32, #tpu.memory_space<hbm>> -> memref<10000xi32, #tpu.memory_space<hbm>>
      tpu.enqueue_dma source(%dma_start3A_51 : memref<10000xi32, #tpu.memory_space<hbm>>) target(%arg10 : memref<10000xi32, #tpu.memory_space<vmem>>) target_semaphore(%run_scoped3A_50 : memref<!tpu.dma_semaphore, #tpu.memory_space<semaphore_mem>>)
      %dma_wait3A = tpu.memref_slice %arg3[%add3A_20] : memref<640000xi32, #tpu.memory_space<hbm>> -> memref<10000xi32, #tpu.memory_space<hbm>>
      %dma_wait3A_52 = tpu.memref_slice %arg3[%add3A_20] : memref<640000xi32, #tpu.memory_space<hbm>> -> memref<10000xi32, #tpu.memory_space<hbm>>
      tpu.wait_dma2 semaphore(%run_scoped3A_50 : memref<!tpu.dma_semaphore, #tpu.memory_space<semaphore_mem>>) src(%dma_wait3A_52 : memref<10000xi32, #tpu.memory_space<hbm>>) dst(%arg10 : memref<10000xi32, #tpu.memory_space<vmem>>)
      tpu.yield
    }) : () -> ()
    %scan3A_21 = arith.constant 0 : i32
    %scan3A_22 = arith.constant 40 : i32
    %scan3A_23 = arith.addi %scan3A_21, %scan3A_22 : i32
    %scan3A_24 = arith.constant 1 : i32
    scf.for %scan3A_50 = %scan3A_21 to %scan3A_23 step %scan3A_24  : i32 {
      %mul3A_51 = arith.constant 1 : i32
      %mul3A_52 = arith.muli %scan3A_50, %mul3A_51 : i32
      %add3A_53 = arith.constant 0 : i32
      %add3A_54 = arith.addi %add3A_53, %mul3A_52 : i32
      %mul3A_55 = arith.constant 16 : i32
      %mul3A_56 = arith.muli %add3A_54, %mul3A_55 : i32
      %get3A = arith.index_cast %mul3A_56 : i32 to index
      %get3A_57 = tpu.vector_load %arg6[%get3A] {strides = array<i32>} : memref<640xf32, #tpu.memory_space<vmem>>, vector<16xf32>,
      %get3A_58 = arith.index_cast %mul3A_56 : i32 to index
      %get3A_59 = tpu.vector_load %arg7[%get3A_58] {strides = array<i32>} : memref<640xf32, #tpu.memory_space<vmem>>, vector<16xf32>,
      %add3A_60 = arith.addf %get3A_57, %get3A_59 : vector<16xf32>
      %add3A_61 = arith.constant 1.000000e+00 : f32
      %add3A_62 = vector.broadcast %add3A_61 : f32 to vector<16xf32>
      %add3A_63 = arith.addf %add3A_60, %add3A_62 : vector<16xf32>
      %mul3A_64 = arith.constant 5.000000e-01 : f32
      %mul3A_65 = vector.broadcast %mul3A_64 : f32 to vector<16xf32>
      %mul3A_66 = arith.mulf %add3A_63, %mul3A_65 : vector<16xf32>
      %bitcast3A = vector.bitcast %add3A_63 : vector<16xf32> to vector<16xi32>
      %shift_right_logical3A = arith.constant 1 : i32
      %shift_right_logical3A_67 = vector.broadcast %shift_right_logical3A : i32 to vector<16xi32>
      %shift_right_logical3A_68 = arith.shrui %bitcast3A, %shift_right_logical3A_67 : vector<16xi32>
      %sub3A = arith.constant 1597463007 : i32
      %sub3A_69 = vector.broadcast %sub3A : i32 to vector<16xi32>
      %sub3A_70 = arith.subi %sub3A_69, %shift_right_logical3A_68 : vector<16xi32>
      %bitcast3A_71 = vector.bitcast %sub3A_70 : vector<16xi32> to vector<16xf32>
      %mul3A_72 = arith.mulf %mul3A_66, %bitcast3A_71 : vector<16xf32>
      %mul3A_73 = arith.mulf %mul3A_72, %bitcast3A_71 : vector<16xf32>
      %sub3A_74 = arith.constant 1.500000e+00 : f32
      %sub3A_75 = vector.broadcast %sub3A_74 : f32 to vector<16xf32>
      %sub3A_76 = arith.subf %sub3A_75, %mul3A_73 : vector<16xf32>
      %mul3A_77 = arith.mulf %bitcast3A_71, %sub3A_76 : vector<16xf32>
      %mul3A_78 = arith.mulf %mul3A_66, %mul3A_77 : vector<16xf32>
      %mul3A_79 = arith.mulf %mul3A_78, %mul3A_77 : vector<16xf32>
      %sub3A_80 = arith.constant 1.500000e+00 : f32
      %sub3A_81 = vector.broadcast %sub3A_80 : f32 to vector<16xf32>
      %sub3A_82 = arith.subf %sub3A_81, %mul3A_79 : vector<16xf32>
      %mul3A_83 = arith.mulf %mul3A_77, %sub3A_82 : vector<16xf32>
      %mul3A_84 = arith.mulf %mul3A_66, %mul3A_83 : vector<16xf32>
      %mul3A_85 = arith.mulf %mul3A_84, %mul3A_83 : vector<16xf32>
      %sub3A_86 = arith.constant 1.500000e+00 : f32
      %sub3A_87 = vector.broadcast %sub3A_86 : f32 to vector<16xf32>
      %sub3A_88 = arith.subf %sub3A_87, %mul3A_85 : vector<16xf32>
      %mul3A_89 = arith.mulf %mul3A_83, %sub3A_88 : vector<16xf32>
      %swap3A = arith.index_cast %mul3A_56 : i32 to index
      %swap3A_90 = tpu.vector_load %arg8[%swap3A] {strides = array<i32>} : memref<640xf32, #tpu.memory_space<vmem>>, vector<16xf32>,
      tpu.vector_store %arg8[%swap3A], %mul3A_89 {strides = array<i32>} : memref<640xf32, #tpu.memory_space<vmem>>, vector<16xf32>,
    }
    %scan3A_25 = arith.constant 40 : i32
    %mul3A_26 = arith.constant 640 : i32
    %mul3A_27 = arith.muli %arg1, %mul3A_26 : i32
    "tpu.region"() ({
      %run_scoped3A_50 = tpu.sem_alloc : memref<!tpu.dma_semaphore, #tpu.memory_space<semaphore_mem>>
      %dma_start3A = tpu.memref_slice %arg14[%mul3A_27] : memref<10240xf32, #tpu.memory_space<vmem_shared>> -> memref<640xf32, #tpu.memory_space<vmem_shared>>
      %dma_start3A_51 = tpu.memref_slice %arg14[%mul3A_27] : memref<10240xf32, #tpu.memory_space<vmem_shared>> -> memref<640xf32, #tpu.memory_space<vmem_shared>>
      tpu.enqueue_dma source(%arg8 : memref<640xf32, #tpu.memory_space<vmem>>) target(%dma_start3A_51 : memref<640xf32, #tpu.memory_space<vmem_shared>>) target_semaphore(%run_scoped3A_50 : memref<!tpu.dma_semaphore, #tpu.memory_space<semaphore_mem>>)
      %dma_wait3A = tpu.memref_slice %arg14[%mul3A_27] : memref<10240xf32, #tpu.memory_space<vmem_shared>> -> memref<640xf32, #tpu.memory_space<vmem_shared>>
      %dma_wait3A_52 = tpu.memref_slice %arg14[%mul3A_27] : memref<10240xf32, #tpu.memory_space<vmem_shared>> -> memref<640xf32, #tpu.memory_space<vmem_shared>>
      tpu.wait_dma2 semaphore(%run_scoped3A_50 : memref<!tpu.dma_semaphore, #tpu.memory_space<semaphore_mem>>) src(%arg8 : memref<640xf32, #tpu.memory_space<vmem>>) dst(%dma_wait3A_52 : memref<640xf32, #tpu.memory_space<vmem_shared>>)
      tpu.yield
    }) : () -> ()
    %eq3A = arith.constant 0 : i32
    %eq3A_28 = arith.cmpi eq, %arg0, %eq3A : i32
    %convert_element_type3A = arith.extui %eq3A_28 : i1 to i32
    %cond3A = arith.constant 0 : i32
    %cond3A_29 = arith.cmpi ne, %convert_element_type3A, %cond3A : i32
    scf.if %cond3A_29 {
      %mul3A_50 = arith.constant 640 : i32
      %mul3A_51 = arith.muli %arg1, %mul3A_50 : i32
      "tpu.region"() ({
        %run_scoped3A_52 = tpu.sem_alloc : memref<!tpu.dma_semaphore, #tpu.memory_space<semaphore_mem>>
        %dma_start3A = tpu.memref_slice %arg5[%mul3A_51] : memref<10240xf32, #tpu.memory_space<hbm>> -> memref<640xf32, #tpu.memory_space<hbm>>
        %dma_start3A_53 = tpu.memref_slice %arg5[%mul3A_51] : memref<10240xf32, #tpu.memory_space<hbm>> -> memref<640xf32, #tpu.memory_space<hbm>>
        tpu.enqueue_dma source(%arg8 : memref<640xf32, #tpu.memory_space<vmem>>) target(%dma_start3A_53 : memref<640xf32, #tpu.memory_space<hbm>>) target_semaphore(%run_scoped3A_52 : memref<!tpu.dma_semaphore, #tpu.memory_space<semaphore_mem>>)
        %dma_wait3A = tpu.memref_slice %arg5[%mul3A_51] : memref<10240xf32, #tpu.memory_space<hbm>> -> memref<640xf32, #tpu.memory_space<hbm>>
        %dma_wait3A_54 = tpu.memref_slice %arg5[%mul3A_51] : memref<10240xf32, #tpu.memory_space<hbm>> -> memref<640xf32, #tpu.memory_space<hbm>>
        tpu.wait_dma2 semaphore(%run_scoped3A_52 : memref<!tpu.dma_semaphore, #tpu.memory_space<semaphore_mem>>) src(%arg8 : memref<640xf32, #tpu.memory_space<vmem>>) dst(%dma_wait3A_54 : memref<640xf32, #tpu.memory_space<hbm>>)
        tpu.yield
      }) : () -> ()
    } else {
    }
    %barrier3A = arith.constant 0 : index
    tpu.barrier barrier_id(%barrier3A)
    "tpu.region"() ({
      %run_scoped3A_50 = tpu.sem_alloc : memref<!tpu.dma_semaphore, #tpu.memory_space<semaphore_mem>>
      tpu.enqueue_dma source(%arg14 : memref<10240xf32, #tpu.memory_space<vmem_shared>>) target(%arg9 : memref<10240xf32, #tpu.memory_space<vmem>>) target_semaphore(%run_scoped3A_50 : memref<!tpu.dma_semaphore, #tpu.memory_space<semaphore_mem>>)
      tpu.wait_dma2 semaphore(%run_scoped3A_50 : memref<!tpu.dma_semaphore, #tpu.memory_space<semaphore_mem>>) src(%arg14 : memref<10240xf32, #tpu.memory_space<vmem_shared>>) dst(%arg9 : memref<10240xf32, #tpu.memory_space<vmem>>)
      tpu.yield
    }) : () -> ()
    %scan3A_30 = arith.constant 0 : i32
    %scan3A_31 = arith.constant 125 : i32
    %scan3A_32 = arith.addi %scan3A_30, %scan3A_31 : i32
    %scan3A_33 = arith.constant 1 : i32
    scf.for %scan3A_50 = %scan3A_30 to %scan3A_32 step %scan3A_33  : i32 {
      %mul3A_51 = arith.constant 1 : i32
      %mul3A_52 = arith.muli %scan3A_50, %mul3A_51 : i32
      %add3A_53 = arith.constant 0 : i32
      %add3A_54 = arith.addi %add3A_53, %mul3A_52 : i32
      %mul3A_55 = arith.constant 80 : i32
      %mul3A_56 = arith.muli %add3A_54, %mul3A_55 : i32
      %add3A_57 = arith.addi %mul3A_2, %mul3A_56 : i32
      %dma_wait3A = arith.constant 0 : i32
      %dma_wait3A_58 = tpu.memref_slice %arg11[%add3A_54, %dma_wait3A] : memref<125x80xi32, #tpu.memory_space<vmem>> -> memref<1x80xi32, #tpu.memory_space<vmem>>
      %dma_wait3A_59 = tpu.memref_squeeze %dma_wait3A_58 : memref<1x80xi32, #tpu.memory_space<vmem>> -> memref<80xi32, #tpu.memory_space<vmem>>
      %dma_wait3A_60 = tpu.memref_slice %arg3[%add3A_57] : memref<640000xi32, #tpu.memory_space<hbm>> -> memref<80xi32, #tpu.memory_space<hbm>>
      %dma_wait3A_61 = arith.constant 0 : i32
      %dma_wait3A_62 = tpu.memref_slice %arg11[%add3A_54, %dma_wait3A_61] : memref<125x80xi32, #tpu.memory_space<vmem>> -> memref<1x80xi32, #tpu.memory_space<vmem>>
      %dma_wait3A_63 = tpu.memref_squeeze %dma_wait3A_62 : memref<1x80xi32, #tpu.memory_space<vmem>> -> memref<80xi32, #tpu.memory_space<vmem>>
      %dma_wait3A_64 = tpu.memref_slice %arg3[%add3A_57] : memref<640000xi32, #tpu.memory_space<hbm>> -> memref<80xi32, #tpu.memory_space<hbm>>
      tpu.wait_dma2 semaphore(%arg17 : memref<!tpu.dma_semaphore, #tpu.memory_space<semaphore_mem>>) src(%dma_wait3A_64 : memref<80xi32, #tpu.memory_space<hbm>>) dst(%dma_wait3A_63 : memref<80xi32, #tpu.memory_space<vmem>>)
    }
    %scan3A_34 = arith.constant 125 : i32
    %scan3A_35 = arith.constant 0 : i32
    %scan3A_36 = arith.constant 125 : i32
    %scan3A_37 = arith.addi %scan3A_35, %scan3A_36 : i32
    %scan3A_38 = arith.constant 1 : i32
    scf.for %scan3A_50 = %scan3A_35 to %scan3A_37 step %scan3A_38  : i32 {
      %mul3A_51 = arith.constant 1 : i32
      %mul3A_52 = arith.muli %scan3A_50, %mul3A_51 : i32
      %add3A_53 = arith.constant 0 : i32
      %add3A_54 = arith.addi %add3A_53, %mul3A_52 : i32
      %scan3A_55 = arith.constant 0 : i32
      %scan3A_56 = arith.constant 5 : i32
      %scan3A_57 = arith.addi %scan3A_55, %scan3A_56 : i32
      %scan3A_58 = arith.constant 1 : i32
      scf.for %scan3A_67 = %scan3A_55 to %scan3A_57 step %scan3A_58  : i32 {
        %mul3A_68 = arith.constant 1 : i32
        %mul3A_69 = arith.muli %scan3A_67, %mul3A_68 : i32
        %add3A_70 = arith.constant 0 : i32
        %add3A_71 = arith.addi %add3A_70, %mul3A_69 : i32
        %mul3A_72 = arith.constant 80 : i32
        %mul3A_73 = arith.muli %add3A_54, %mul3A_72 : i32
        %mul3A_74 = arith.constant 16 : i32
        %mul3A_75 = arith.muli %add3A_71, %mul3A_74 : i32
        %add3A_76 = arith.addi %mul3A_73, %mul3A_75 : i32
        %get3A = arith.index_cast %add3A_76 : i32 to index
        %get3A_77 = tpu.vector_load %arg10[%get3A] {strides = array<i32>} : memref<10000xi32, #tpu.memory_space<vmem>>, vector<16xi32>,
        %gather3A = tpu.vector_load_idx %arg9[%get3A_77] : memref<10240xf32, #tpu.memory_space<vmem>>[vector<16xi32>], vector<16xf32>,
        %swap3A = arith.index_cast %add3A_76 : i32 to index
        %swap3A_78 = tpu.vector_load %arg12[%swap3A] {strides = array<i32>} : memref<10000xf32, #tpu.memory_space<vmem>>, vector<16xf32>,
        tpu.vector_store %arg12[%swap3A], %gather3A {strides = array<i32>} : memref<10000xf32, #tpu.memory_space<vmem>>, vector<16xf32>,
      }
      %scan3A_59 = arith.constant 5 : i32
      %mul3A_60 = arith.constant 80 : i32
      %mul3A_61 = arith.muli %add3A_54, %mul3A_60 : i32
      %dma_start3A = tpu.memref_slice %arg12[%mul3A_61] : memref<10000xf32, #tpu.memory_space<vmem>> -> memref<80xf32, #tpu.memory_space<vmem>>
      %dma_start3A_62 = arith.constant 0 : i32
      %dma_start3A_63 = tpu.memref_slice %arg11[%add3A_54, %dma_start3A_62] : memref<125x80xi32, #tpu.memory_space<vmem>> -> memref<1x80xi32, #tpu.memory_space<vmem>>
      %dma_start3A_64 = tpu.memref_squeeze %dma_start3A_63 : memref<1x80xi32, #tpu.memory_space<vmem>> -> memref<80xi32, #tpu.memory_space<vmem>>
      %dma_start3A_65 = arith.constant 0 : i32
      %dma_start3A_66 = tpu.memref_slice %arg15[%dma_start3A_65] : memref<10240xf32, #tpu.memory_space<vmem_shared>> -> memref<10240xf32, #tpu.memory_space<vmem_shared>>
      tpu.enqueue_indirect_dma source(%dma_start3A : memref<80xf32, #tpu.memory_space<vmem>>) target(%dma_start3A_66 : memref<10240xf32, #tpu.memory_space<vmem_shared>>) offsets(%dma_start3A_64 : memref<80xi32, #tpu.memory_space<vmem>>) semaphore(%arg16 : memref<!tpu.dma_semaphore, #tpu.memory_space<semaphore_mem>>) {add = true}
    }
    %scan3A_39 = arith.constant 125 : i32
    %scan3A_40 = arith.constant 0 : i32
    %scan3A_41 = arith.constant 125 : i32
    %scan3A_42 = arith.addi %scan3A_40, %scan3A_41 : i32
    %scan3A_43 = arith.constant 1 : i32
    scf.for %scan3A_50 = %scan3A_40 to %scan3A_42 step %scan3A_43  : i32 {
      %mul3A_51 = arith.constant 1 : i32
      %mul3A_52 = arith.muli %scan3A_50, %mul3A_51 : i32
      %add3A_53 = arith.constant 0 : i32
      %add3A_54 = arith.addi %add3A_53, %mul3A_52 : i32
      %mul3A_55 = arith.constant 80 : i32
      %mul3A_56 = arith.muli %add3A_54, %mul3A_55 : i32
      %dma_wait3A = tpu.memref_slice %arg12[%mul3A_56] : memref<10000xf32, #tpu.memory_space<vmem>> -> memref<80xf32, #tpu.memory_space<vmem>>
      %dma_wait3A_57 = arith.constant 0 : i32
      %dma_wait3A_58 = tpu.memref_slice %arg11[%add3A_54, %dma_wait3A_57] : memref<125x80xi32, #tpu.memory_space<vmem>> -> memref<1x80xi32, #tpu.memory_space<vmem>>
      %dma_wait3A_59 = tpu.memref_squeeze %dma_wait3A_58 : memref<1x80xi32, #tpu.memory_space<vmem>> -> memref<80xi32, #tpu.memory_space<vmem>>
      %dma_wait3A_60 = arith.constant 0 : i32
      %dma_wait3A_61 = tpu.memref_slice %arg15[%dma_wait3A_60] : memref<10240xf32, #tpu.memory_space<vmem_shared>> -> memref<10240xf32, #tpu.memory_space<vmem_shared>>
      tpu.wait_indirect_dma semaphore(%arg16 : memref<!tpu.dma_semaphore, #tpu.memory_space<semaphore_mem>>) src(%dma_wait3A : memref<80xf32, #tpu.memory_space<vmem>>) dst(%dma_wait3A_61 : memref<10240xf32, #tpu.memory_space<vmem_shared>>)
    }
    %scan3A_44 = arith.constant 125 : i32
    %barrier3A_45 = arith.constant 0 : index
    tpu.barrier barrier_id(%barrier3A_45)
    %mul3A_46 = arith.constant 640 : i32
    %mul3A_47 = arith.muli %arg1, %mul3A_46 : i32
    %mul3A_48 = arith.constant 640 : i32
    %mul3A_49 = arith.muli %arg1, %mul3A_48 : i32
    "tpu.region"() ({
      %run_scoped3A_50 = tpu.sem_alloc : memref<!tpu.dma_semaphore, #tpu.memory_space<semaphore_mem>>
      %dma_start3A = tpu.memref_slice %arg4[%arg0, %mul3A_49] : memref<2x10240xf32, #tpu.memory_space<hbm>> -> memref<1x640xf32, #tpu.memory_space<hbm>>
      %dma_start3A_51 = tpu.memref_squeeze %dma_start3A : memref<1x640xf32, #tpu.memory_space<hbm>> -> memref<640xf32, #tpu.memory_space<hbm>>
      %dma_start3A_52 = tpu.memref_slice %arg15[%mul3A_47] : memref<10240xf32, #tpu.memory_space<vmem_shared>> -> memref<640xf32, #tpu.memory_space<vmem_shared>>
      tpu.enqueue_dma source(%dma_start3A_52 : memref<640xf32, #tpu.memory_space<vmem_shared>>) target(%dma_start3A_51 : memref<640xf32, #tpu.memory_space<hbm>>) target_semaphore(%run_scoped3A_50 : memref<!tpu.dma_semaphore, #tpu.memory_space<semaphore_mem>>)
      %dma_wait3A = tpu.memref_slice %arg4[%arg0, %mul3A_49] : memref<2x10240xf32, #tpu.memory_space<hbm>> -> memref<1x640xf32, #tpu.memory_space<hbm>>
      %dma_wait3A_53 = tpu.memref_squeeze %dma_wait3A : memref<1x640xf32, #tpu.memory_space<hbm>> -> memref<640xf32, #tpu.memory_space<hbm>>
      %dma_wait3A_54 = tpu.memref_slice %arg15[%mul3A_47] : memref<10240xf32, #tpu.memory_space<vmem_shared>> -> memref<640xf32, #tpu.memory_space<vmem_shared>>
      tpu.wait_dma2 semaphore(%run_scoped3A_50 : memref<!tpu.dma_semaphore, #tpu.memory_space<semaphore_mem>>) src(%dma_wait3A_54 : memref<640xf32, #tpu.memory_space<vmem_shared>>) dst(%dma_wait3A_53 : memref<640xf32, #tpu.memory_space<hbm>>)
      tpu.yield
    }) : () -> ()
    return
  }
}

#map = affine_map<(d0, d1) -> (0)>
#map1 = affine_map<(d0, d1) -> (0, 0)>
module attributes {stable_mosaic.version = 14 : i64} {
  func.func @_sc_degree(%arg0: i32, %arg1: i32, %arg2: memref<640000xi32, #tpu.memory_space<hbm>>, %arg3: memref<2x10240xf32, #tpu.memory_space<hbm>>, %arg4: memref<125x80xi32, #tpu.memory_space<vmem>>, %arg5: memref<10000xf32, #tpu.memory_space<vmem>>, %arg6: memref<640xf32, #tpu.memory_space<vmem>>, %arg7: memref<10240xf32, #tpu.memory_space<vmem_shared>>, %arg8: memref<!tpu.dma_semaphore, #tpu.memory_space<semaphore_mem>>, %arg9: memref<!tpu.dma_semaphore, #tpu.memory_space<semaphore_mem>>) attributes {dimension_semantics = [#tpu.dimension_semantics<core_parallel>, #tpu.dimension_semantics<subcore_parallel>], iteration_bounds = array<i64: 2, 16>, scalar_prefetch = 0 : i64, scratch_operands = 6 : i64, tpu.core_type = #tpu.core_type<sc_vector_subcore>, window_params = [{transform_indices = #map}, {transform_indices = #map1}]} {
    %mul3A = arith.constant 16 : i32
    %mul3A_0 = arith.muli %arg0, %mul3A : i32
    %add3A = arith.addi %mul3A_0, %arg1 : i32
    %mul3A_1 = arith.constant 10000 : i32
    %mul3A_2 = arith.muli %add3A, %mul3A_1 : i32
    %scan3A = arith.constant 0 : i32
    %scan3A_3 = arith.constant 125 : i32
    %scan3A_4 = arith.addi %scan3A, %scan3A_3 : i32
    %scan3A_5 = arith.constant 1 : i32
    scf.for %scan3A_39 = %scan3A to %scan3A_4 step %scan3A_5  : i32 {
      %mul3A_40 = arith.constant 1 : i32
      %mul3A_41 = arith.muli %scan3A_39, %mul3A_40 : i32
      %add3A_42 = arith.constant 0 : i32
      %add3A_43 = arith.addi %add3A_42, %mul3A_41 : i32
      %add3A_44 = arith.constant 320000 : i32
      %add3A_45 = arith.addi %add3A_44, %mul3A_2 : i32
      %mul3A_46 = arith.constant 80 : i32
      %mul3A_47 = arith.muli %add3A_43, %mul3A_46 : i32
      %add3A_48 = arith.addi %add3A_45, %mul3A_47 : i32
      %dma_start3A = arith.constant 0 : i32
      %dma_start3A_49 = tpu.memref_slice %arg4[%add3A_43, %dma_start3A] : memref<125x80xi32, #tpu.memory_space<vmem>> -> memref<1x80xi32, #tpu.memory_space<vmem>>
      %dma_start3A_50 = tpu.memref_squeeze %dma_start3A_49 : memref<1x80xi32, #tpu.memory_space<vmem>> -> memref<80xi32, #tpu.memory_space<vmem>>
      %dma_start3A_51 = tpu.memref_slice %arg2[%add3A_48] : memref<640000xi32, #tpu.memory_space<hbm>> -> memref<80xi32, #tpu.memory_space<hbm>>
      %dma_start3A_52 = arith.constant 0 : i32
      %dma_start3A_53 = tpu.memref_slice %arg4[%add3A_43, %dma_start3A_52] : memref<125x80xi32, #tpu.memory_space<vmem>> -> memref<1x80xi32, #tpu.memory_space<vmem>>
      %dma_start3A_54 = tpu.memref_squeeze %dma_start3A_53 : memref<1x80xi32, #tpu.memory_space<vmem>> -> memref<80xi32, #tpu.memory_space<vmem>>
      %dma_start3A_55 = tpu.memref_slice %arg2[%add3A_48] : memref<640000xi32, #tpu.memory_space<hbm>> -> memref<80xi32, #tpu.memory_space<hbm>>
      tpu.enqueue_dma source(%dma_start3A_55 : memref<80xi32, #tpu.memory_space<hbm>>) target(%dma_start3A_54 : memref<80xi32, #tpu.memory_space<vmem>>) target_semaphore(%arg9 : memref<!tpu.dma_semaphore, #tpu.memory_space<semaphore_mem>>)
    }
    %scan3A_6 = arith.constant 125 : i32
    %scan3A_7 = arith.constant 0 : i32
    %scan3A_8 = arith.constant 40 : i32
    %scan3A_9 = arith.addi %scan3A_7, %scan3A_8 : i32
    %scan3A_10 = arith.constant 1 : i32
    scf.for %scan3A_39 = %scan3A_7 to %scan3A_9 step %scan3A_10  : i32 {
      %mul3A_40 = arith.constant 1 : i32
      %mul3A_41 = arith.muli %scan3A_39, %mul3A_40 : i32
      %add3A_42 = arith.constant 0 : i32
      %add3A_43 = arith.addi %add3A_42, %mul3A_41 : i32
      %broadcast_in_dim3A = arith.constant 0.000000e+00 : f32
      %broadcast_in_dim3A_44 = vector.broadcast %broadcast_in_dim3A : f32 to vector<16xf32>
      %mul3A_45 = arith.constant 16 : i32
      %mul3A_46 = arith.muli %add3A_43, %mul3A_45 : i32
      %swap3A = arith.index_cast %mul3A_46 : i32 to index
      %swap3A_47 = tpu.vector_load %arg6[%swap3A] {strides = array<i32>} : memref<640xf32, #tpu.memory_space<vmem>>, vector<16xf32>,
      tpu.vector_store %arg6[%swap3A], %broadcast_in_dim3A_44 {strides = array<i32>} : memref<640xf32, #tpu.memory_space<vmem>>, vector<16xf32>,
    }
    %scan3A_11 = arith.constant 40 : i32
    %mul3A_12 = arith.constant 640 : i32
    %mul3A_13 = arith.muli %arg1, %mul3A_12 : i32
    "tpu.region"() ({
      %run_scoped3A = tpu.sem_alloc : memref<!tpu.dma_semaphore, #tpu.memory_space<semaphore_mem>>
      %dma_start3A = tpu.memref_slice %arg7[%mul3A_13] : memref<10240xf32, #tpu.memory_space<vmem_shared>> -> memref<640xf32, #tpu.memory_space<vmem_shared>>
      %dma_start3A_39 = tpu.memref_slice %arg7[%mul3A_13] : memref<10240xf32, #tpu.memory_space<vmem_shared>> -> memref<640xf32, #tpu.memory_space<vmem_shared>>
      tpu.enqueue_dma source(%arg6 : memref<640xf32, #tpu.memory_space<vmem>>) target(%dma_start3A_39 : memref<640xf32, #tpu.memory_space<vmem_shared>>) target_semaphore(%run_scoped3A : memref<!tpu.dma_semaphore, #tpu.memory_space<semaphore_mem>>)
      %dma_wait3A = tpu.memref_slice %arg7[%mul3A_13] : memref<10240xf32, #tpu.memory_space<vmem_shared>> -> memref<640xf32, #tpu.memory_space<vmem_shared>>
      %dma_wait3A_40 = tpu.memref_slice %arg7[%mul3A_13] : memref<10240xf32, #tpu.memory_space<vmem_shared>> -> memref<640xf32, #tpu.memory_space<vmem_shared>>
      tpu.wait_dma2 semaphore(%run_scoped3A : memref<!tpu.dma_semaphore, #tpu.memory_space<semaphore_mem>>) src(%arg6 : memref<640xf32, #tpu.memory_space<vmem>>) dst(%dma_wait3A_40 : memref<640xf32, #tpu.memory_space<vmem_shared>>)
      tpu.yield
    }) : () -> ()
    %scan3A_14 = arith.constant 0 : i32
    %scan3A_15 = arith.constant 625 : i32
    %scan3A_16 = arith.addi %scan3A_14, %scan3A_15 : i32
    %scan3A_17 = arith.constant 1 : i32
    scf.for %scan3A_39 = %scan3A_14 to %scan3A_16 step %scan3A_17  : i32 {
      %mul3A_40 = arith.constant 1 : i32
      %mul3A_41 = arith.muli %scan3A_39, %mul3A_40 : i32
      %add3A_42 = arith.constant 0 : i32
      %add3A_43 = arith.addi %add3A_42, %mul3A_41 : i32
      %broadcast_in_dim3A = arith.constant 1.000000e+00 : f32
      %broadcast_in_dim3A_44 = vector.broadcast %broadcast_in_dim3A : f32 to vector<16xf32>
      %mul3A_45 = arith.constant 16 : i32
      %mul3A_46 = arith.muli %add3A_43, %mul3A_45 : i32
      %swap3A = arith.index_cast %mul3A_46 : i32 to index
      %swap3A_47 = tpu.vector_load %arg5[%swap3A] {strides = array<i32>} : memref<10000xf32, #tpu.memory_space<vmem>>, vector<16xf32>,
      tpu.vector_store %arg5[%swap3A], %broadcast_in_dim3A_44 {strides = array<i32>} : memref<10000xf32, #tpu.memory_space<vmem>>, vector<16xf32>,
    }
    %scan3A_18 = arith.constant 625 : i32
    %scan3A_19 = arith.constant 0 : i32
    %scan3A_20 = arith.constant 125 : i32
    %scan3A_21 = arith.addi %scan3A_19, %scan3A_20 : i32
    %scan3A_22 = arith.constant 1 : i32
    scf.for %scan3A_39 = %scan3A_19 to %scan3A_21 step %scan3A_22  : i32 {
      %mul3A_40 = arith.constant 1 : i32
      %mul3A_41 = arith.muli %scan3A_39, %mul3A_40 : i32
      %add3A_42 = arith.constant 0 : i32
      %add3A_43 = arith.addi %add3A_42, %mul3A_41 : i32
      %add3A_44 = arith.constant 320000 : i32
      %add3A_45 = arith.addi %add3A_44, %mul3A_2 : i32
      %mul3A_46 = arith.constant 80 : i32
      %mul3A_47 = arith.muli %add3A_43, %mul3A_46 : i32
      %add3A_48 = arith.addi %add3A_45, %mul3A_47 : i32
      %dma_wait3A = arith.constant 0 : i32
      %dma_wait3A_49 = tpu.memref_slice %arg4[%add3A_43, %dma_wait3A] : memref<125x80xi32, #tpu.memory_space<vmem>> -> memref<1x80xi32, #tpu.memory_space<vmem>>
      %dma_wait3A_50 = tpu.memref_squeeze %dma_wait3A_49 : memref<1x80xi32, #tpu.memory_space<vmem>> -> memref<80xi32, #tpu.memory_space<vmem>>
      %dma_wait3A_51 = tpu.memref_slice %arg2[%add3A_48] : memref<640000xi32, #tpu.memory_space<hbm>> -> memref<80xi32, #tpu.memory_space<hbm>>
      %dma_wait3A_52 = arith.constant 0 : i32
      %dma_wait3A_53 = tpu.memref_slice %arg4[%add3A_43, %dma_wait3A_52] : memref<125x80xi32, #tpu.memory_space<vmem>> -> memref<1x80xi32, #tpu.memory_space<vmem>>
      %dma_wait3A_54 = tpu.memref_squeeze %dma_wait3A_53 : memref<1x80xi32, #tpu.memory_space<vmem>> -> memref<80xi32, #tpu.memory_space<vmem>>
      %dma_wait3A_55 = tpu.memref_slice %arg2[%add3A_48] : memref<640000xi32, #tpu.memory_space<hbm>> -> memref<80xi32, #tpu.memory_space<hbm>>
      tpu.wait_dma2 semaphore(%arg9 : memref<!tpu.dma_semaphore, #tpu.memory_space<semaphore_mem>>) src(%dma_wait3A_55 : memref<80xi32, #tpu.memory_space<hbm>>) dst(%dma_wait3A_54 : memref<80xi32, #tpu.memory_space<vmem>>)
    }
    %scan3A_23 = arith.constant 125 : i32
    %barrier3A = arith.constant 0 : index
    tpu.barrier barrier_id(%barrier3A)
    %scan3A_24 = arith.constant 0 : i32
    %scan3A_25 = arith.constant 125 : i32
    %scan3A_26 = arith.addi %scan3A_24, %scan3A_25 : i32
    %scan3A_27 = arith.constant 1 : i32
    scf.for %scan3A_39 = %scan3A_24 to %scan3A_26 step %scan3A_27  : i32 {
      %mul3A_40 = arith.constant 1 : i32
      %mul3A_41 = arith.muli %scan3A_39, %mul3A_40 : i32
      %add3A_42 = arith.constant 0 : i32
      %add3A_43 = arith.addi %add3A_42, %mul3A_41 : i32
      %mul3A_44 = arith.constant 80 : i32
      %mul3A_45 = arith.muli %add3A_43, %mul3A_44 : i32
      %dma_start3A = tpu.memref_slice %arg5[%mul3A_45] : memref<10000xf32, #tpu.memory_space<vmem>> -> memref<80xf32, #tpu.memory_space<vmem>>
      %dma_start3A_46 = arith.constant 0 : i32
      %dma_start3A_47 = tpu.memref_slice %arg4[%add3A_43, %dma_start3A_46] : memref<125x80xi32, #tpu.memory_space<vmem>> -> memref<1x80xi32, #tpu.memory_space<vmem>>
      %dma_start3A_48 = tpu.memref_squeeze %dma_start3A_47 : memref<1x80xi32, #tpu.memory_space<vmem>> -> memref<80xi32, #tpu.memory_space<vmem>>
      %dma_start3A_49 = arith.constant 0 : i32
      %dma_start3A_50 = tpu.memref_slice %arg7[%dma_start3A_49] : memref<10240xf32, #tpu.memory_space<vmem_shared>> -> memref<10240xf32, #tpu.memory_space<vmem_shared>>
      tpu.enqueue_indirect_dma source(%dma_start3A : memref<80xf32, #tpu.memory_space<vmem>>) target(%dma_start3A_50 : memref<10240xf32, #tpu.memory_space<vmem_shared>>) offsets(%dma_start3A_48 : memref<80xi32, #tpu.memory_space<vmem>>) semaphore(%arg8 : memref<!tpu.dma_semaphore, #tpu.memory_space<semaphore_mem>>) {add = true}
    }
    %scan3A_28 = arith.constant 125 : i32
    %scan3A_29 = arith.constant 0 : i32
    %scan3A_30 = arith.constant 125 : i32
    %scan3A_31 = arith.addi %scan3A_29, %scan3A_30 : i32
    %scan3A_32 = arith.constant 1 : i32
    scf.for %scan3A_39 = %scan3A_29 to %scan3A_31 step %scan3A_32  : i32 {
      %mul3A_40 = arith.constant 1 : i32
      %mul3A_41 = arith.muli %scan3A_39, %mul3A_40 : i32
      %add3A_42 = arith.constant 0 : i32
      %add3A_43 = arith.addi %add3A_42, %mul3A_41 : i32
      %mul3A_44 = arith.constant 80 : i32
      %mul3A_45 = arith.muli %add3A_43, %mul3A_44 : i32
      %dma_wait3A = tpu.memref_slice %arg5[%mul3A_45] : memref<10000xf32, #tpu.memory_space<vmem>> -> memref<80xf32, #tpu.memory_space<vmem>>
      %dma_wait3A_46 = arith.constant 0 : i32
      %dma_wait3A_47 = tpu.memref_slice %arg4[%add3A_43, %dma_wait3A_46] : memref<125x80xi32, #tpu.memory_space<vmem>> -> memref<1x80xi32, #tpu.memory_space<vmem>>
      %dma_wait3A_48 = tpu.memref_squeeze %dma_wait3A_47 : memref<1x80xi32, #tpu.memory_space<vmem>> -> memref<80xi32, #tpu.memory_space<vmem>>
      %dma_wait3A_49 = arith.constant 0 : i32
      %dma_wait3A_50 = tpu.memref_slice %arg7[%dma_wait3A_49] : memref<10240xf32, #tpu.memory_space<vmem_shared>> -> memref<10240xf32, #tpu.memory_space<vmem_shared>>
      tpu.wait_indirect_dma semaphore(%arg8 : memref<!tpu.dma_semaphore, #tpu.memory_space<semaphore_mem>>) src(%dma_wait3A : memref<80xf32, #tpu.memory_space<vmem>>) dst(%dma_wait3A_50 : memref<10240xf32, #tpu.memory_space<vmem_shared>>)
    }
    %scan3A_33 = arith.constant 125 : i32
    %barrier3A_34 = arith.constant 0 : index
    tpu.barrier barrier_id(%barrier3A_34)
    %mul3A_35 = arith.constant 640 : i32
    %mul3A_36 = arith.muli %arg1, %mul3A_35 : i32
    %mul3A_37 = arith.constant 640 : i32
    %mul3A_38 = arith.muli %arg1, %mul3A_37 : i32
    "tpu.region"() ({
      %run_scoped3A = tpu.sem_alloc : memref<!tpu.dma_semaphore, #tpu.memory_space<semaphore_mem>>
      %dma_start3A = tpu.memref_slice %arg3[%arg0, %mul3A_38] : memref<2x10240xf32, #tpu.memory_space<hbm>> -> memref<1x640xf32, #tpu.memory_space<hbm>>
      %dma_start3A_39 = tpu.memref_squeeze %dma_start3A : memref<1x640xf32, #tpu.memory_space<hbm>> -> memref<640xf32, #tpu.memory_space<hbm>>
      %dma_start3A_40 = tpu.memref_slice %arg7[%mul3A_36] : memref<10240xf32, #tpu.memory_space<vmem_shared>> -> memref<640xf32, #tpu.memory_space<vmem_shared>>
      tpu.enqueue_dma source(%dma_start3A_40 : memref<640xf32, #tpu.memory_space<vmem_shared>>) target(%dma_start3A_39 : memref<640xf32, #tpu.memory_space<hbm>>) target_semaphore(%run_scoped3A : memref<!tpu.dma_semaphore, #tpu.memory_space<semaphore_mem>>)
      %dma_wait3A = tpu.memref_slice %arg3[%arg0, %mul3A_38] : memref<2x10240xf32, #tpu.memory_space<hbm>> -> memref<1x640xf32, #tpu.memory_space<hbm>>
      %dma_wait3A_41 = tpu.memref_squeeze %dma_wait3A : memref<1x640xf32, #tpu.memory_space<hbm>> -> memref<640xf32, #tpu.memory_space<hbm>>
      %dma_wait3A_42 = tpu.memref_slice %arg7[%mul3A_36] : memref<10240xf32, #tpu.memory_space<vmem_shared>> -> memref<640xf32, #tpu.memory_space<vmem_shared>>
      tpu.wait_dma2 semaphore(%run_scoped3A : memref<!tpu.dma_semaphore, #tpu.memory_space<semaphore_mem>>) src(%dma_wait3A_42 : memref<640xf32, #tpu.memory_space<vmem_shared>>) dst(%dma_wait3A_41 : memref<640xf32, #tpu.memory_space<hbm>>)
      tpu.yield
    }) : () -> ()
    return
  }
}

module attributes {stable_mosaic.version = 14 : i64} {
  func.func @_tc_head_body(%arg0: memref<10240xf32, #tpu.memory_space<vmem>>, %arg1: memref<2x10240xf32, #tpu.memory_space<vmem>>, %arg2: memref<10000x128xf32, #tpu.memory_space<vmem>>, %arg3: memref<128x128xf32, #tpu.memory_space<vmem>>, %arg4: memref<128xf32, #tpu.memory_space<vmem>>, %arg5: memref<128x16xf32, #tpu.memory_space<vmem>>, %arg6: memref<16xf32, #tpu.memory_space<vmem>>, %arg7: memref<1x16xf32, #tpu.memory_space<vmem>>) attributes {dimension_semantics = [], scalar_prefetch = 0 : i64, scratch_operands = 0 : i64, tpu.core_type = #tpu.core_type<tc>} {
    %get3A = arith.constant 0 : index
    %get3A_0 = vector.load %arg0[%get3A] : memref<10240xf32, #tpu.memory_space<vmem>>, vector<10240xf32>
    %get3A_1 = arith.constant 0 : index
    %get3A_2 = arith.constant 0 : index
    %get3A_3 = vector.load %arg1[%get3A_1, %get3A_2] : memref<2x10240xf32, #tpu.memory_space<vmem>>, vector<2x10240xf32>
    %slice3A = vector.extract_strided_slice %get3A_3 {offsets = [0, 0], sizes = [1, 10240], strides = [1, 1]} : vector<2x10240xf32> to vector<1x10240xf32>
    %squeeze3A = vector.shape_cast %slice3A : vector<1x10240xf32> to vector<10240xf32>
    %add3A = arith.addf %get3A_0, %squeeze3A : vector<10240xf32>
    %slice3A_4 = vector.extract_strided_slice %get3A_3 {offsets = [1, 0], sizes = [1, 10240], strides = [1, 1]} : vector<2x10240xf32> to vector<1x10240xf32>
    %squeeze3A_5 = vector.shape_cast %slice3A_4 : vector<1x10240xf32> to vector<10240xf32>
    %add3A_6 = arith.addf %add3A, %squeeze3A_5 : vector<10240xf32>
    %mul3A = arith.mulf %get3A_0, %add3A_6 : vector<10240xf32>
    %slice3A_7 = vector.extract_strided_slice %mul3A {offsets = [0], sizes = [10000], strides = [1]} : vector<10240xf32> to vector<10000xf32>
    %reshape3A = vector.shape_cast %slice3A_7 : vector<10000xf32> to vector<1x10000xf32>
    %get3A_8 = arith.constant 0 : index
    %get3A_9 = arith.constant 0 : index
    %get3A_10 = vector.load %arg2[%get3A_8, %get3A_9] : memref<10000x128xf32, #tpu.memory_space<vmem>>, vector<10000x128xf32>
    %get3A_11 = arith.constant 0 : index
    %get3A_12 = arith.constant 0 : index
    %get3A_13 = vector.load %arg3[%get3A_11, %get3A_12] : memref<128x128xf32, #tpu.memory_space<vmem>>, vector<128x128xf32>
    %dot_general3A = arith.constant dense<0.000000e+00> : vector<10000x128xf32>
    %dot_general3A_14 = tpu.matmul %get3A_10, %get3A_13, %dot_general3A {dimension_numbers = #tpu.dot_dimension_numbers<[1], [0], [0], [1], [0, 0, 1, 1], [], []>, transpose_lhs_hint = false} : vector<10000x128xf32>, vector<128x128xf32>, vector<10000x128xf32> -> vector<10000x128xf32>
    %dot_general3A_15 = arith.constant dense<0.000000e+00> : vector<1x128xf32>
    %dot_general3A_16 = tpu.matmul %reshape3A, %dot_general3A_14, %dot_general3A_15 {dimension_numbers = #tpu.dot_dimension_numbers<[1], [0], [0], [1], [0, 0, 1, 1], [], []>, precision = #tpu.contract_precision<fp32>, transpose_lhs_hint = false} : vector<1x10000xf32>, vector<10000x128xf32>, vector<1x128xf32> -> vector<1x128xf32>
    %get3A_17 = arith.constant 0 : index
    %get3A_18 = vector.load %arg4[%get3A_17] : memref<128xf32, #tpu.memory_space<vmem>>, vector<128xf32>
    %reshape3A_19 = vector.shape_cast %get3A_18 : vector<128xf32> to vector<1x128xf32>
    %mul3A_20 = arith.constant 1.000000e+04 : f32
    %mul3A_21 = vector.broadcast %mul3A_20 : f32 to vector<1x128xf32>
    %mul3A_22 = arith.mulf %mul3A_21, %reshape3A_19 : vector<1x128xf32>
    %add3A_23 = arith.addf %dot_general3A_16, %mul3A_22 : vector<1x128xf32>
    %get3A_24 = arith.constant 0 : index
    %get3A_25 = arith.constant 0 : index
    %get3A_26 = vector.load %arg5[%get3A_24, %get3A_25] : memref<128x16xf32, #tpu.memory_space<vmem>>, vector<128x16xf32>
    %dot_general3A_27 = arith.constant dense<0.000000e+00> : vector<1x16xf32>
    %dot_general3A_28 = tpu.matmul %add3A_23, %get3A_26, %dot_general3A_27 {dimension_numbers = #tpu.dot_dimension_numbers<[1], [0], [0], [1], [0, 0, 1, 1], [], []>, transpose_lhs_hint = false} : vector<1x128xf32>, vector<128x16xf32>, vector<1x16xf32> -> vector<1x16xf32>
    %get3A_29 = arith.constant 0 : index
    %get3A_30 = vector.load %arg6[%get3A_29] : memref<16xf32, #tpu.memory_space<vmem>>, vector<16xf32>
    %reshape3A_31 = vector.shape_cast %get3A_30 : vector<16xf32> to vector<1x16xf32>
    %add3A_32 = arith.addf %dot_general3A_28, %reshape3A_31 : vector<1x16xf32>
    %logistic3A = arith.negf %add3A_32 : vector<1x16xf32>
    %logistic3A_33 = math.exp %logistic3A : vector<1x16xf32>
    %logistic3A_34 = arith.constant 1.000000e+00 : f32
    %logistic3A_35 = vector.broadcast %logistic3A_34 : f32 to vector<1x16xf32>
    %logistic3A_36 = arith.addf %logistic3A_35, %logistic3A_33 : vector<1x16xf32>
    %logistic3A_37 = arith.divf %logistic3A_35, %logistic3A_36 : vector<1x16xf32>
    %swap3A = arith.constant 0 : index
    %swap3A_38 = arith.constant 0 : index
    %swap3A_39 = vector.load %arg7[%swap3A, %swap3A_38] : memref<1x16xf32, #tpu.memory_space<vmem>>, vector<1x16xf32>
    tpu.vector_store %arg7[%swap3A, %swap3A_38], %logistic3A_37 {strides = array<i32>} : memref<1x16xf32, #tpu.memory_space<vmem>>, vector<1x16xf32>,
    return
  }
}

</mosaic_0001>

<sc_bundles>
// kernel: kernel.5.cloned.1.call-start
scs
__scs_entry_jumppad:
0x0: {  	(pc) =	sbr.rel $0x88, $3  }
0x1: {  	(tag) =	ssettag $0x0;
	lr =	simm.s32 $0x1  }
0x2: {  	[smem:$0x3F9B] =	sst lr;
	_ =	strace $0xD0000000  }
0x3: {  	_ = 	snop  }
0x4: {  	_ = 	snop  }
0x5: {  	_ = 	snop  }
0x6: {  	_ = 	snop  }
0x7: {  	_ = 	snop  }
__scs_overlays_trampoline_lowered:
0x8: {  	[smem:$0x3FAA] =	sst s0  }
0x9: {  	[smem:$0x3FAB] =	sst s1  }
0xa: {  	[smem:$0x3FAC] =	sst s2  }
0xb: {  	[smem:$0x3FAD] =	sst s3  }
0xc: {  	[smem:$0x3FAE] =	sst s4  }
0xd: {  	[smem:$0x3FAF] =	sst s5  }
0xe: {  	[smem:$0x3FB0] =	sst s6  }
0xf: {  	[smem:$0x3FB1] =	sst s7  }
0x10: {  	[smem:$0x3FB2] =	sst s8  }
0x11: {  	[smem:$0x3FB3] =	sst s9;
	s0 =	simm.s32 @!p0 $0x0  }
0x12: {  	s1 =	sld [smem:$0x3F99];
	s0 =	simm.s32 @p0 $0x1  }
0x13: {  	[smem:$0x3FB4] =	sst s0;
	s0 =	simm.s32 @!p1 $0x0  }
0x14: {  	s2 =	sld [smem:$0x3F98];
	s0 =	simm.s32 @p1 $0x1  }
0x15: {  	[smem:$0x3FB5] =	sst s0;
	s0 =	simm.s32 @!p2 $0x0  }
0x16: {  	s3 =	sld [smem:$0x3FDB];
	s0 =	simm.s32 @p2 $0x1  }
0x17: {  	s4 =	simm.s32 $0x1BF5;
	[smem:$0x3FB7] =	sst s0  }
0x18: {  	s0 =	sld [smem:$0x3F9A];
	_ =	swait.ge [sflag:s4], $0x0  }
0x19: {  	s7 =	sld [smem:$0x3F9B]  }
0x1a: {  	s8 =	sadd.s32 $0xFFFFE003, lr  }
0x1b: {  	s9 =	sadd.s32 $0xFFFFFEF7, lr;
	s5 =	simm.s32 $0xFFFFFFFF;
	p2 =	slt.u32 s8, $0xFFFFF086  }
0x1c: {  	p1 =	slt.u32 s9, $0xF7A;
	s5 =	simm.s32 @!p2 $0x0  }
0x1d: {  	s5 =	simm.s32 @p1 $0x1;
	p0 =	seq.s32 s7, s2  }
0x1e: {  	s7 =	smul.u32 @!p0 $0xF7A, s2;
	p2 =	seq.s32 @!p0 s5, $0x0  }
0x1f: {  	s9 =	smul.u32 $0xF7A, s1;
	s8 =	simm.s32 @!p0 $0x1BF5;
	p2 =	por !p2, p0  }
0x20: {  	[sflag:s8] =	ssyncset.s32 @!p0 $0xFFFFF086;
	s6 =	sadd.s32 @!p0 s3, s7;
	s7 =	simm.s32 @!p0 $0x108  }
0x21: {  	s3 =	sadd.s32 s3, s9;
	s6 =	sadd.s32 @!p0 $0x88, s6;
	s7 =	simm.s32 @p2 $0x1082  }
0x22: {  	[simem:s7], [sflag:s8] =	dma.local @!p0 [hbm:s6], $0xF7A  }
0x23: {  	s9 =	sor.u32 $0xD0000000, s2;
	s6 =	simm.s32 $0x108;
	_ =	swait.ge @!p0 [sflag:s8], $0x0  }
0x24: {  	s3 =	sadd.s32 $0x88, s3;
	s6 =	simm.s32 @!p1 $0x1082;
	[sflag:s4] =	ssyncset.s32 $0xFFFFF086  }
0x25: {  	[simem:s6], [sflag:s4] =	dma.local [hbm:s3], $0xF7A  }
0x26: {  	[smem:$0x3F9B] =	sst s1;
	(tag) =	ssettag s2;
	_ =	strace s9  }
0x27: {  	s1 =	sld [smem:$0x3FAB]  }
0x28: {  	s2 =	sld [smem:$0x3FAC]  }
0x29: {  	s4 =	sld [smem:$0x3FAE]  }
0x2a: {  	p0 =	seq.s32 s5, $0x0;
	s5 =	sld [smem:$0x3FAF]  }
0x2b: {  	s6 =	sld [smem:$0x3FB0]  }
0x2c: {  	s7 =	sld [smem:$0x3FB1]  }
0x2d: {  	s3 =	simm.s32 $0x108;
	s8 =	sld [smem:$0x3FB2]  }
0x2e: {  	s3 =	simm.s32 @!p0 $0x1082;
	s9 =	sld [smem:$0x3FB3]  }
0x2f: {  	lr =	sadd.s32 s0, s3;
	s0 =	sld [smem:$0x3FAA]  }
0x30: {  	s3 =	sld [smem:$0x3FAD]  }
0x31: {  	[smem:$0x3FB6] =	sst s10  }
0x32: {  	s10 =	sld [smem:$0x3FB4];
	_ =	sdelay $0x3  }
0x33: {  	p0 =	seq.s32 s10, $0x1;
	s10 =	sld [smem:$0x3FB6];
	_ =	sdelay $0x3  }
0x34: {  	[smem:$0x3FB6] =	sst s10  }
0x35: {  	s10 =	sld [smem:$0x3FB5];
	_ =	sdelay $0x3  }
0x36: {  	p1 =	seq.s32 s10, $0x1;
	s10 =	sld [smem:$0x3FB6];
	_ =	sdelay $0x3  }
0x37: {  	[smem:$0x3FB6] =	sst s10  }
0x38: {  	s10 =	sld [smem:$0x3FB7]  }
0x39: {  	_ = 	snop;
	(pc) =	sbr.ind lr, $3  }
0x3a: {  	_ = 	snop  }
0x3b: {  	_ = 	snop  }
0x3c: {  	p2 =	seq.s32 s10, $0x1;
	s10 =	sld [smem:$0x3FB6]  }
0x3d: {  	_ =	shalt  }
0x3e: {  	_ =	shalt  }
0x3f: {  	_ =	shalt  }
0x40: {  	_ =	shalt  }
0x41: {  	_ =	shalt  }
0x42: {  	_ =	shalt  }
0x43: {  	_ =	shalt  }
0x44: {  	_ =	shalt  }
0x45: {  	_ =	shalt  }
0x46: {  	_ =	shalt  }
0x47: {  	_ =	shalt  }
0x48: {  	_ =	shalt  }
0x49: {  	_ =	shalt  }
0x4a: {  	_ =	shalt  }
0x4b: {  	_ =	shalt  }
0x4c: {  	_ =	shalt  }
0x4d: {  	_ =	shalt  }
0x4e: {  	_ =	shalt  }
0x4f: {  	_ =	shalt  }
0x50: {  	_ =	shalt  }
0x51: {  	_ =	shalt  }
0x52: {  	_ =	shalt  }
0x53: {  	_ =	shalt  }
0x54: {  	_ =	shalt  }
0x55: {  	_ =	shalt  }
0x56: {  	_ =	shalt  }
0x57: {  	_ =	shalt  }
0x58: {  	_ =	shalt  }
0x59: {  	_ =	shalt  }
0x5a: {  	_ =	shalt  }
0x5b: {  	_ =	shalt  }
0x5c: {  	_ =	shalt  }
0x5d: {  	_ =	shalt  }
0x5e: {  	_ =	shalt  }
0x5f: {  	_ =	shalt  }
0x60: {  	_ =	shalt  }
0x61: {  	_ =	shalt  }
0x62: {  	_ =	shalt  }
0x63: {  	_ =	shalt  }
0x64: {  	_ =	shalt  }
0x65: {  	_ =	shalt  }
0x66: {  	_ =	shalt  }
0x67: {  	_ =	shalt  }
0x68: {  	_ =	shalt  }
0x69: {  	_ =	shalt  }
0x6a: {  	_ =	shalt  }
0x6b: {  	_ =	shalt  }
0x6c: {  	_ =	shalt  }
0x6d: {  	_ =	shalt  }
0x6e: {  	_ =	shalt  }
0x6f: {  	_ =	shalt  }
0x70: {  	_ =	shalt  }
0x71: {  	_ =	shalt  }
0x72: {  	_ =	shalt  }
0x73: {  	_ =	shalt  }
0x74: {  	_ =	shalt  }
0x75: {  	_ =	shalt  }
0x76: {  	_ =	shalt  }
0x77: {  	_ =	shalt  }
0x78: {  	_ =	shalt  }
0x79: {  	_ =	shalt  }
0x7a: {  	_ =	shalt  }
0x7b: {  	_ =	shalt  }
0x7c: {  	_ =	shalt  }
0x7d: {  	_ =	shalt  }
0x7e: {  	_ =	shalt  }
0x7f: {  	_ =	shalt  }
0x80: {  	_ =	shalt  }
0x81: {  	_ =	shalt  }
0x82: {  	_ =	shalt  }
0x83: {  	_ =	shalt  }
0x84: {  	_ =	shalt  }
0x85: {  	_ =	shalt  }
0x86: {  	_ =	shalt  }
0x87: {  	_ =	shalt  }
.Lfunc_end0:
.L_simem_size_0:
called_computation_lowered:
.L_overlay_start_0:
0x88: {  	s2 =	sld [smem:$0x3FD9]  }
0x89: {  	s3 =	sld [smem:$0x3FFE];
	_ =	sdelay $0x1  }
0x8a: {  	s1 =	srdreg.scid  }
0x8b: {  	s0 =	sand.u32 $0x1, s1  }
0x8c: {  	s16 =	sshll.u32 s0, $0xA;
	s2 =	sadd.s32 s3, s2  }
0x8d: {  	s2 =	sadd.s32 s2, s16  }
0x8e: {  	[smem:$0x3FC2] =	sst s2  }
0x8f: {  	_ = 	snop  }
0x90: {  	(tm) =	ssettm $0x1  }
0x91: {  	s17 =	sld [smem:$0x3FFB];
	_ =	sdelay $0x3  }
0x92: {  	_ =	strace s17  }
0x93: {  	s2 =	sld [smem:$0x3FFC];
	_ =	sdelay $0x3  }
0x94: {  	_ =	strace s2  }
0x95: {  	s2 =	sld [smem:$0x3FFD];
	_ =	sdelay $0x3  }
0x96: {  	_ =	strace s2  }
0x97: {  	_ =	strace $0x8FFFFFFF  }
0x98: {  	s18 =	sld [smem:$0x3FDB];
	_ =	sdelay $0x1  }
0x99: {  	s19 =	simm.s32 $_scs_section_size  }
0x9a: {  	s4 =	simm.s32 $_size__tile_overlayer_lowered;
	s5 =	simm.s32 $_tile_overlayer_lowered  }
0x9b: {  	s22 =	simm.s32 $0x1BFF;
	s21 =	sshll.u32 s5, $0x1;
	s2 =	sadd.s32 s19, s18  }
0x9c: {  	s6 =	simm.s32 $0x0;
	s20 =	sshll.u32 s4, $0x1;
	s4 =	sadd.s32 s21, s2  }
0x9d: {  	[timem:s6], [sflag:s22] =	dma.local [hbm:s4], s20  }
0x9e: {  	_ =	swait.ge [sflag:s22], s20  }
0x9f: {  	s3 =	ssub.s32 $0x0, s20;
	[sflag:s22] =	ssyncset.done $0x0  }
0xa0: {  	[sflag:s22] =	ssyncadd.s32 s3;
	_ =	sdelay $0x1  }
0xa1: {  	s23 =	simm.s32 $0x1B8B  }
0xa2: {  	_ =	swait.ge [sflag:s23], $0x1  }
0xa3: {  	[sflag:s23] =	ssyncset.done $0x0  }
0xa4: {  	s25 =	simm.s32 $0x1B8E;
	s24 =	sld [smem:$0x3FFE];
	[sflag:s23] =	ssyncadd.s32 $0xFFFFFFFF  }
0xa5: {  	s26 =	simm.s32 $execute0_lowered;
	[smem:$0x3FD2] =	sst s25  }
0xa6: {  	s4 =	sshll.u32 s26, $0x1;
	_ =	strace $0x80000046;
	[dreg:$0x1] =	wrdreg $0xFFFFFFFF  }
0xa7: {  	s28 =	simm.s32 $_size_execute0_lowered;
	s2 =	sadd.s32 s2, s4;
	[dreg:$0x0] =	wrdreg $0x0  }
0xa8: {  	s4 =	sshll.u32 s28, $0x1;
	[dreg:$0x2] =	wrdreg s2  }
0xa9: {  	[dreg:$0x3] =	wrdreg s4  }
0xaa: {  	[dreg:$0x4] =	wrdreg $0xC0  }
0xab: {  	_ =	task [dreg:s6], $0x5FFFF  }
0xac: {  	[dreg:$0x1] =	wrdreg $0xFFFFFFFF  }
0xad: {  	[dreg:$0x0] =	wrdreg $0x60  }
0xae: {  	[dreg:$0x2] =	wrdreg s24  }
0xaf: {  	[dreg:$0x3] =	wrdreg $0x6A000  }
0xb0: {  	[dreg:$0x4] =	wrdreg $0x9  }
0xb1: {  	_ =	task.clear_ibuf [dreg:s6], $0x5FFFF;
	_ =	strace $0x90000046  }
0xb2: {  	s29 =	simm.s32 $0x9;
	_ =	strace $0x80000048  }
0xb3: {  	_ =	swait.ge [sflag:s29], $0x1  }
0xb4: {  	[sflag:s29] =	ssyncadd.s32 $0xFFFFFFFF  }
0xb5: {  	_ =	strace $0x90000048  }
0xb6: {  	_ =	sfence  }
0xb7: {  	s30 =	sld [smem:$0x0];
	_ =	sdelay $0x2  }
0xb8: {  	s31 =	sshll.u32 s1, $0xD;
	s1 =	sshrl.u32 s1, $0x2  }
0xb9: {  	s3 =	sand.u32 $0x4000, s31;
	s1 =	sadd.s32 s1, s30  }
0xba: {  	s0 =	sor.u32 s3, s0;
	s1 =	sshll.u32 s1, $0x11  }
0xbb: {  	s0 =	sor.u32 s1, s0  }
0xbc: {  	s0 =	sadd.s32 $0x8F2B, s0  }
0xbd: {  	[sflag:s0] =	ssyncadd.remote.s32 $0x1  }
0xbe: {  	_ =	sfence.sel $0xFFFF  }
0xbf: {  	[dreg:$0x0] =	wrdreg $0xFFFFFFFF;
	(pc) =	sbr.abs _section_cstart, $3  }
0xc0: {  	[dreg:$0x1] =	wrdreg $0xFFFFFFFF  }
0xc1: {  	_ =	task.clear_ibuf [dreg:s6], $0x2FFFF;
	_ =	strace $0x9FFFFFFF  }
0xc2: {  	(tm) =	ssettm $0x7FFFFFFF  }
0xc3: {  	_ =	shalt  }
tec
execute0_lowered:
.L_overlay_start_1:
0x0: {  	(tag) =	ssettag $0x1  }
0x1: {  	s6 =	rddreg [dreg:$0x0]  }
0x2: {  	s2 =	rddreg [dreg:$0x1]  }
0x3: {  	s0 =	srdreg.scid;
	s1 =	rddreg [dreg:$0x2]  }
0x4: {  	s3 =	simm.s32 $0x0;
	s10 =	simm.s32 $0x2;
	s11 =	simm.s32 $0x50  }
0x5: {  	s12 =	simm.s32 $0x1;
	s13 =	simm.s32 $0x20;
	s4 =	sand.u32 $0x1, s0  }
0x6: {  	s14 =	simm.s32 $0x10;
	s0 =	stileid.u32;
	s5 =	smul.u32 $0x27100, s4  }
0x7: {  	s15 =	simm.s32 $0x0;
	[smem:$0x7FF] =	sst s3;
	s7 =	smul.u32 $0x2710, s0  }
0x8: {  	s25 =	smul.u32 $0x500, s0;
	s8 =	sshll.u32 s4, $0x7;
	s4 =	ssub.s32 $0x2, s4  }
0x9: {  	_ =	strace $0x80000047;
	s26 =	smul.u32 $0xA00, s0;
	s29 =	sshrl.u32 s4, $0x1  }
0xa: {  	s5 =	sadd.s32 s7, s5;
	s7 =	sor.u32 s8, s25;
	s30 =	ssub.s32 s4, s29  }
0xb: {  	s31 =	sshrl.u32 s26, $0x2;
	s8 =	simm.s32 $0x6780;
	s5 =	sadd.s32 $0x4E200, s5  }
0xc: {  	s28 =	sshrl.u32 s7, $0x3;
	s4 =	sadd.s32 s31, s2;
	s5 =	sshrl.u32 s5, $0x3  }
0xd: {  	s9 =	sadd.s32 s5, s6;
	s5 =	sadd.s32 s28, s6;
	s6 =	smax.u32 s30, $0x1  }
0xe: {  	v0 =	vimm.f32 $0.0e+00;
	v1 =	vimm.f32 $1.000000000e+00;
	s5 =	sadd.s32 $0x15A00, s5;
	s7 =	sadd.s32 $0x2000, s9;
	s9 =	simm.s32 $0x3  }
.LBB2_1:
0xf: {  	s16 =	simm.s32 $0xA  }
0x10: {  	s19 =	sadd.s32 $0x0, s7;
	s17 =	simm.s32 $0x80;
	s18 =	simm.s32 $0x0  }
.LBB2_2:
0x11: {  	[tilespmem:s18], [sflag:$0x2] =	stream.linear.gather [hbm4b:s19+s3], $0x50, $0x38;
	[tilespmem:$0x6C80] =	vst v63  }
0x12: {  	s19 =	smov.u32 s16;
	s18 =	smov.u32 s17;
	p0 =	sne.s32 s16, $0x4D8  }
.Ltmp0:
0x13: {  	s16 =	sadd.s32 $0xA, s16;
	(pc) =	sbr.rel @p0 .LBB2_2-.Ltmp0, $2  }
0x14: {  	_ =	sdelay $0x2  }
0x15: {  	s17 =	sadd.s32 $0x80, s17;
	s19 =	sadd.s32 s19, s7  }
0x16: {  	[tilespmem:s18], [sflag:$0x2] =	stream.linear.gather [hbm4b:s19+s3], $0x50, $0x38;
	[tilespmem:$0x6C80] =	vst v63  }
0x17: {  	[tilespmem:$0x6780] =	vst v0  }
0x18: {  	[tilespmem:$0x6790] =	vst v0  }
0x19: {  	[tilespmem:$0x67A0] =	vst v0  }
0x1a: {  	[tilespmem:$0x67B0] =	vst v0  }
0x1b: {  	[tilespmem:$0x67C0] =	vst v0  }
0x1c: {  	[tilespmem:$0x67D0] =	vst v0  }
0x1d: {  	[tilespmem:$0x67E0] =	vst v0  }
0x1e: {  	[tilespmem:$0x67F0] =	vst v0  }
0x1f: {  	[tilespmem:$0x6800] =	vst v0  }
0x20: {  	[tilespmem:$0x6810] =	vst v0  }
0x21: {  	[tilespmem:$0x6820] =	vst v0  }
0x22: {  	[tilespmem:$0x6830] =	vst v0  }
0x23: {  	[tilespmem:$0x6840] =	vst v0  }
0x24: {  	[tilespmem:$0x6850] =	vst v0  }
0x25: {  	[tilespmem:$0x6860] =	vst v0  }
0x26: {  	[tilespmem:$0x6870] =	vst v0  }
0x27: {  	[tilespmem:$0x6880] =	vst v0  }
0x28: {  	[tilespmem:$0x6890] =	vst v0  }
0x29: {  	[tilespmem:$0x68A0] =	vst v0  }
0x2a: {  	[tilespmem:$0x68B0] =	vst v0  }
0x2b: {  	[tilespmem:$0x68C0] =	vst v0  }
0x2c: {  	[tilespmem:$0x68D0] =	vst v0  }
0x2d: {  	[tilespmem:$0x68E0] =	vst v0  }
0x2e: {  	[tilespmem:$0x68F0] =	vst v0  }
0x2f: {  	[tilespmem:$0x6900] =	vst v0  }
0x30: {  	[tilespmem:$0x6910] =	vst v0  }
0x31: {  	[tilespmem:$0x6920] =	vst v0  }
0x32: {  	[tilespmem:$0x6930] =	vst v0  }
0x33: {  	[tilespmem:$0x6940] =	vst v0  }
0x34: {  	[tilespmem:$0x6950] =	vst v0  }
0x35: {  	[tilespmem:$0x6960] =	vst v0  }
0x36: {  	[tilespmem:$0x6970] =	vst v0  }
0x37: {  	[tilespmem:$0x6980] =	vst v0  }
0x38: {  	[tilespmem:$0x6990] =	vst v0  }
0x39: {  	[tilespmem:$0x69A0] =	vst v0  }
0x3a: {  	[tilespmem:$0x69B0] =	vst v0  }
0x3b: {  	[tilespmem:$0x69C0] =	vst v0  }
0x3c: {  	[tilespmem:$0x69D0] =	vst v0  }
0x3d: {  	[tilespmem:$0x69E0] =	vst v0  }
0x3e: {  	[tilespmem:$0x69F0] =	vst v0  }
0x3f: {  	[spmem:s4] =	stream.linear.scatter [tilespmem:s8], [sflag:$0x3], $0x280, $0x38;
	[tilespmem:$0x6C80] =	vst v63  }
0x40: {  	_ =	swait.ge [sflag:s9], $0x280  }
0x41: {  	[sflag:s9] =	ssyncset.done $0x0  }
0x42: {  	s16 =	simm.s32 $0x0;
	[sflag:s9] =	ssyncadd.s32 $0xFFFFFD80  }
.LBB2_4:
0x43: {  	p0 =	sne.s32 s16, $0x9C00  }
.Ltmp1:
0x44: {  	_ = 	snop;
	(pc) =	sbr.rel @p0 .LBB2_4-.Ltmp1, $3  }
0x45: {  	_ =	sdelay $0x1  }
0x46: {  	s17 =	sshra.s32 s16, $0x2  }
0x47: {  	s16 =	sadd.s32 $0x40, s16;
	[tilespmem:s17+$0x4000] =	vst v1  }
0x48: {  	_ =	swait.ge [sflag:s10], $0x50  }
0x49: {  	s16 =	simm.s32 $0x7C;
	[sflag:s10] =	ssyncset.done $0x0  }
.LBB2_6:
0x4a: {  	p0 =	sne.s32 s16, $0x1;
	s16 =	sadd.s32 $0xFFFFFFFF, s16;
	[sflag:s10] =	ssyncadd.s32 $0xFFFFFFB0  }
.Ltmp2:
0x4b: {  	(pc) =	sbr.rel @p0 .LBB2_6-.Ltmp2, $3  }
0x4c: {  	_ =	sdelay $0x1  }
0x4d: {  	_ =	swait.ge [sflag:s10], $0x50  }
0x4e: {  	[sflag:s10] =	ssyncset.done $0x0  }
0x4f: {  	[sflag:s10] =	ssyncadd.s32 $0xFFFFFFB0  }
0x50: {  	s16 =	simm.s32 $0x0;
	s17 =	simm.s32 $0x0;
	[bflag:$0x0] =	sbarrier.arrive $0xFFFF  }
.LBB2_8:
0x51: {  	p0 =	sne.s32 s17, $0x9B00  }
.Ltmp3:
0x52: {  	_ = 	snop;
	(pc) =	sbr.rel @p0 .LBB2_8-.Ltmp3, $4  }
0x53: {  	s18 =	sshra.s32 s17, $0x2  }
0x54: {  	s18 =	sadd.s32 $0x4000, s18  }
0x55: {  	[spmem:s2] =	stream.indirect.scatter.add.f32 [tilespmem:s18], [sflag:$0x1], $0x1, s16, s11, $0xb8;
	[tilespmem:$0x6C80] =	vst v63  }
0x56: {  	s17 =	sadd.s32 $0x140, s17;
	s16 =	sadd.s32 $0x80, s16  }
0x57: {  	_ =	swait.ge [sflag:s12], $0x50  }
0x58: {  	s16 =	simm.s32 $0x7C;
	[sflag:s12] =	ssyncset.done $0x0  }
.LBB2_10:
0x59: {  	p0 =	sne.s32 s16, $0x1;
	s16 =	sadd.s32 $0xFFFFFFFF, s16;
	[sflag:s12] =	ssyncadd.s32 $0xFFFFFFB0  }
.Ltmp4:
0x5a: {  	(pc) =	sbr.rel @p0 .LBB2_10-.Ltmp4, $3  }
0x5b: {  	_ =	sdelay $0x1  }
0x5c: {  	_ =	swait.ge [sflag:s12], $0x50  }
0x5d: {  	[sflag:s12] =	ssyncset.done $0x0  }
0x5e: {  	[sflag:s12] =	ssyncadd.s32 $0xFFFFFFB0;
	s15 =	sadd.s32 $0x1, s15  }
0x5f: {  	s16 =	sshll.u32 s0, $0x6;
	s17 =	sshrl.u32 s4, $0x3;
	p0 =	sne.s32 s15, s6  }
.Ltmp5:
0x60: {  	[bflag:$0x0] =	sbarrier.arrive $0xFFFF;
	s16 =	sor.u32 $0x1C03, s16;
	(pc) =	sbr.rel @p0 .LBB2_1-.Ltmp5, $4  }
0x61: {  	[hbm:s5@s13], [sflag:s16] =	dma.strided [spmem:s17@s14], $0x50, s12, $0x10   }
0x62: {  	_ =	swait.ge [sflag:s9], $0x50  }
0x63: {  	[sflag:s9] =	ssyncset.done $0x0  }
0x64: {  	[sflag:s9] =	ssyncadd.s32 $0xFFFFFFB0  }
0x65: {  	_ =	sfence.sel $0x180000  }
0x66: {  	[bflag:$0x0] =	sbarrier.arrive $0xFFFF  }
0x67: {  	p0 =	sne.s32 s0, $0x0;
	_ =	strace $0x90000047  }
0x68: {  	s0 =	sadd.s32 @!p0 $0x100000, s1;
	[bflag:$0x2] =	sbarrier.arrive $0xFFFF  }
0x69: {  	[sflag:s0] =	ssyncadd.tile.s32 @!p0 $0x1;
	_ =	shalt  }
.Lfunc_end2:
_tile_overlayer_lowered:
.L_overlay_start_2:
0x6a: {  	(tag) =	ssettag $0x2  }
0x6b: {  	s0 =	rddreg [dreg:$0x0];
	s2 =	stileid.u32  }
0x6c: {  	s1 =	rddreg [dreg:$0x1];
	p0 =	sne.s32 s2, $0x0  }
0x6d: {  	s3 =	rddreg [dreg:$0x2];
	[bflag:$0x3] =	sbarrier.arrive $0xFFFF;
	s2 =	simm.s32 @!p0 $0x1C03  }
0x6e: {  	[timem:s3], [sflag:s2] =	dma.local @!p0 [hbm:s0], s1  }
0x6f: {  	s0 =	simm.s32 @!p0 $0x3  }
0x70: {  	_ =	swait.ge @!p0 [sflag:s0], s1  }
0x71: {  	s1 =	ssub.s32 @!p0 $0x0, s1;
	[sflag:s0] =	ssyncset.done @!p0 $0x0  }
0x72: {  	[sflag:s0] =	ssyncadd.s32 @!p0 s1  }
0x73: {  	[bflag:$0x3] =	sbarrier.arrive $0xFFFF  }
0x74: {  	_ =	shalt  }

// kernel: kernel.8.cloned.1.call-start
scs
__scs_entry_jumppad:
0x0: {  	(pc) =	sbr.rel $0x88, $3  }
0x1: {  	(tag) =	ssettag $0x0;
	lr =	simm.s32 $0x1  }
0x2: {  	[smem:$0x3F9B] =	sst lr;
	_ =	strace $0xD0000000  }
0x3: {  	_ = 	snop  }
0x4: {  	_ = 	snop  }
0x5: {  	_ = 	snop  }
0x6: {  	_ = 	snop  }
0x7: {  	_ = 	snop  }
__scs_overlays_trampoline_lowered:
0x8: {  	[smem:$0x3FAA] =	sst s0  }
0x9: {  	[smem:$0x3FAB] =	sst s1  }
0xa: {  	[smem:$0x3FAC] =	sst s2  }
0xb: {  	[smem:$0x3FAD] =	sst s3  }
0xc: {  	[smem:$0x3FAE] =	sst s4  }
0xd: {  	[smem:$0x3FAF] =	sst s5  }
0xe: {  	[smem:$0x3FB0] =	sst s6  }
0xf: {  	[smem:$0x3FB1] =	sst s7  }
0x10: {  	[smem:$0x3FB2] =	sst s8  }
0x11: {  	[smem:$0x3FB3] =	sst s9;
	s0 =	simm.s32 @!p0 $0x0  }
0x12: {  	s1 =	sld [smem:$0x3F99];
	s0 =	simm.s32 @p0 $0x1  }
0x13: {  	[smem:$0x3FB4] =	sst s0;
	s0 =	simm.s32 @!p1 $0x0  }
0x14: {  	s2 =	sld [smem:$0x3F98];
	s0 =	simm.s32 @p1 $0x1  }
0x15: {  	[smem:$0x3FB5] =	sst s0;
	s0 =	simm.s32 @!p2 $0x0  }
0x16: {  	s3 =	sld [smem:$0x3FDB];
	s0 =	simm.s32 @p2 $0x1  }
0x17: {  	s4 =	simm.s32 $0x1BF5;
	[smem:$0x3FB7] =	sst s0  }
0x18: {  	s0 =	sld [smem:$0x3F9A];
	_ =	swait.ge [sflag:s4], $0x0  }
0x19: {  	s7 =	sld [smem:$0x3F9B]  }
0x1a: {  	s8 =	sadd.s32 $0xFFFFE003, lr  }
0x1b: {  	s9 =	sadd.s32 $0xFFFFFEF7, lr;
	s5 =	simm.s32 $0xFFFFFFFF;
	p2 =	slt.u32 s8, $0xFFFFF086  }
0x1c: {  	p1 =	slt.u32 s9, $0xF7A;
	s5 =	simm.s32 @!p2 $0x0  }
0x1d: {  	s5 =	simm.s32 @p1 $0x1;
	p0 =	seq.s32 s7, s2  }
0x1e: {  	s7 =	smul.u32 @!p0 $0xF7A, s2;
	p2 =	seq.s32 @!p0 s5, $0x0  }
0x1f: {  	s9 =	smul.u32 $0xF7A, s1;
	s8 =	simm.s32 @!p0 $0x1BF5;
	p2 =	por !p2, p0  }
0x20: {  	[sflag:s8] =	ssyncset.s32 @!p0 $0xFFFFF086;
	s6 =	sadd.s32 @!p0 s3, s7;
	s7 =	simm.s32 @!p0 $0x108  }
0x21: {  	s3 =	sadd.s32 s3, s9;
	s6 =	sadd.s32 @!p0 $0x88, s6;
	s7 =	simm.s32 @p2 $0x1082  }
0x22: {  	[simem:s7], [sflag:s8] =	dma.local @!p0 [hbm:s6], $0xF7A  }
0x23: {  	s9 =	sor.u32 $0xD0000000, s2;
	s6 =	simm.s32 $0x108;
	_ =	swait.ge @!p0 [sflag:s8], $0x0  }
0x24: {  	s3 =	sadd.s32 $0x88, s3;
	s6 =	simm.s32 @!p1 $0x1082;
	[sflag:s4] =	ssyncset.s32 $0xFFFFF086  }
0x25: {  	[simem:s6], [sflag:s4] =	dma.local [hbm:s3], $0xF7A  }
0x26: {  	[smem:$0x3F9B] =	sst s1;
	(tag) =	ssettag s2;
	_ =	strace s9  }
0x27: {  	s1 =	sld [smem:$0x3FAB]  }
0x28: {  	s2 =	sld [smem:$0x3FAC]  }
0x29: {  	s4 =	sld [smem:$0x3FAE]  }
0x2a: {  	p0 =	seq.s32 s5, $0x0;
	s5 =	sld [smem:$0x3FAF]  }
0x2b: {  	s6 =	sld [smem:$0x3FB0]  }
0x2c: {  	s7 =	sld [smem:$0x3FB1]  }
0x2d: {  	s3 =	simm.s32 $0x108;
	s8 =	sld [smem:$0x3FB2]  }
0x2e: {  	s3 =	simm.s32 @!p0 $0x1082;
	s9 =	sld [smem:$0x3FB3]  }
0x2f: {  	lr =	sadd.s32 s0, s3;
	s0 =	sld [smem:$0x3FAA]  }
0x30: {  	s3 =	sld [smem:$0x3FAD]  }
0x31: {  	[smem:$0x3FB6] =	sst s10  }
0x32: {  	s10 =	sld [smem:$0x3FB4];
	_ =	sdelay $0x3  }
0x33: {  	p0 =	seq.s32 s10, $0x1;
	s10 =	sld [smem:$0x3FB6];
	_ =	sdelay $0x3  }
0x34: {  	[smem:$0x3FB6] =	sst s10  }
0x35: {  	s10 =	sld [smem:$0x3FB5];
	_ =	sdelay $0x3  }
0x36: {  	p1 =	seq.s32 s10, $0x1;
	s10 =	sld [smem:$0x3FB6];
	_ =	sdelay $0x3  }
0x37: {  	[smem:$0x3FB6] =	sst s10  }
0x38: {  	s10 =	sld [smem:$0x3FB7]  }
0x39: {  	_ = 	snop;
	(pc) =	sbr.ind lr, $3  }
0x3a: {  	_ = 	snop  }
0x3b: {  	_ = 	snop  }
0x3c: {  	p2 =	seq.s32 s10, $0x1;
	s10 =	sld [smem:$0x3FB6]  }
0x3d: {  	_ =	shalt  }
0x3e: {  	_ =	shalt  }
0x3f: {  	_ =	shalt  }
0x40: {  	_ =	shalt  }
0x41: {  	_ =	shalt  }
0x42: {  	_ =	shalt  }
0x43: {  	_ =	shalt  }
0x44: {  	_ =	shalt  }
0x45: {  	_ =	shalt  }
0x46: {  	_ =	shalt  }
0x47: {  	_ =	shalt  }
0x48: {  	_ =	shalt  }
0x49: {  	_ =	shalt  }
0x4a: {  	_ =	shalt  }
0x4b: {  	_ =	shalt  }
0x4c: {  	_ =	shalt  }
0x4d: {  	_ =	shalt  }
0x4e: {  	_ =	shalt  }
0x4f: {  	_ =	shalt  }
0x50: {  	_ =	shalt  }
0x51: {  	_ =	shalt  }
0x52: {  	_ =	shalt  }
0x53: {  	_ =	shalt  }
0x54: {  	_ =	shalt  }
0x55: {  	_ =	shalt  }
0x56: {  	_ =	shalt  }
0x57: {  	_ =	shalt  }
0x58: {  	_ =	shalt  }
0x59: {  	_ =	shalt  }
0x5a: {  	_ =	shalt  }
0x5b: {  	_ =	shalt  }
0x5c: {  	_ =	shalt  }
0x5d: {  	_ =	shalt  }
0x5e: {  	_ =	shalt  }
0x5f: {  	_ =	shalt  }
0x60: {  	_ =	shalt  }
0x61: {  	_ =	shalt  }
0x62: {  	_ =	shalt  }
0x63: {  	_ =	shalt  }
0x64: {  	_ =	shalt  }
0x65: {  	_ =	shalt  }
0x66: {  	_ =	shalt  }
0x67: {  	_ =	shalt  }
0x68: {  	_ =	shalt  }
0x69: {  	_ =	shalt  }
0x6a: {  	_ =	shalt  }
0x6b: {  	_ =	shalt  }
0x6c: {  	_ =	shalt  }
0x6d: {  	_ =	shalt  }
0x6e: {  	_ =	shalt  }
0x6f: {  	_ =	shalt  }
0x70: {  	_ =	shalt  }
0x71: {  	_ =	shalt  }
0x72: {  	_ =	shalt  }
0x73: {  	_ =	shalt  }
0x74: {  	_ =	shalt  }
0x75: {  	_ =	shalt  }
0x76: {  	_ =	shalt  }
0x77: {  	_ =	shalt  }
0x78: {  	_ =	shalt  }
0x79: {  	_ =	shalt  }
0x7a: {  	_ =	shalt  }
0x7b: {  	_ =	shalt  }
0x7c: {  	_ =	shalt  }
0x7d: {  	_ =	shalt  }
0x7e: {  	_ =	shalt  }
0x7f: {  	_ =	shalt  }
0x80: {  	_ =	shalt  }
0x81: {  	_ =	shalt  }
0x82: {  	_ =	shalt  }
0x83: {  	_ =	shalt  }
0x84: {  	_ =	shalt  }
0x85: {  	_ =	shalt  }
0x86: {  	_ =	shalt  }
0x87: {  	_ =	shalt  }
.Lfunc_end0:
.L_simem_size_0:
called_computation.1_lowered:
.L_overlay_start_0:
0x88: {  	s2 =	sld [smem:$0x3FD9]  }
0x89: {  	s3 =	sld [smem:$0x3FFE];
	_ =	sdelay $0x1  }
0x8a: {  	s1 =	srdreg.scid  }
0x8b: {  	s0 =	sand.u32 $0x1, s1  }
0x8c: {  	s16 =	sshll.u32 s0, $0xA;
	s2 =	sadd.s32 s3, s2  }
0x8d: {  	s2 =	sadd.s32 s2, s16  }
0x8e: {  	[smem:$0x3FC2] =	sst s2  }
0x8f: {  	_ = 	snop  }
0x90: {  	(tm) =	ssettm $0x1  }
0x91: {  	s17 =	sld [smem:$0x3FFB];
	_ =	sdelay $0x3  }
0x92: {  	_ =	strace s17  }
0x93: {  	s2 =	sld [smem:$0x3FFC];
	_ =	sdelay $0x3  }
0x94: {  	_ =	strace s2  }
0x95: {  	s2 =	sld [smem:$0x3FFD];
	_ =	sdelay $0x3  }
0x96: {  	_ =	strace s2  }
0x97: {  	_ =	strace $0x8FFFFFFF  }
0x98: {  	s18 =	sld [smem:$0x3FDB];
	_ =	sdelay $0x1  }
0x99: {  	s19 =	simm.s32 $_scs_section_size  }
0x9a: {  	s4 =	simm.s32 $_size__tile_overlayer_lowered;
	s5 =	simm.s32 $_tile_overlayer_lowered  }
0x9b: {  	s22 =	simm.s32 $0x1BFF;
	s21 =	sshll.u32 s5, $0x1;
	s2 =	sadd.s32 s19, s18  }
0x9c: {  	s6 =	simm.s32 $0x0;
	s20 =	sshll.u32 s4, $0x1;
	s4 =	sadd.s32 s21, s2  }
0x9d: {  	[timem:s6], [sflag:s22] =	dma.local [hbm:s4], s20  }
0x9e: {  	_ =	swait.ge [sflag:s22], s20  }
0x9f: {  	s3 =	ssub.s32 $0x0, s20;
	[sflag:s22] =	ssyncset.done $0x0  }
0xa0: {  	[sflag:s22] =	ssyncadd.s32 s3;
	_ =	sdelay $0x1  }
0xa1: {  	s23 =	simm.s32 $0x1B8B  }
0xa2: {  	_ =	swait.ge [sflag:s23], $0x1  }
0xa3: {  	[sflag:s23] =	ssyncset.done $0x0  }
0xa4: {  	s25 =	simm.s32 $0x1B8E;
	s24 =	sld [smem:$0x3FFE];
	[sflag:s23] =	ssyncadd.s32 $0xFFFFFFFF  }
0xa5: {  	s26 =	simm.s32 $execute0_lowered;
	[smem:$0x3FD2] =	sst s25  }
0xa6: {  	s4 =	sshll.u32 s26, $0x1;
	_ =	strace $0x80000049;
	[dreg:$0x1] =	wrdreg $0xFFFFFFFF  }
0xa7: {  	s28 =	simm.s32 $_size_execute0_lowered;
	s2 =	sadd.s32 s2, s4;
	[dreg:$0x0] =	wrdreg $0x0  }
0xa8: {  	s4 =	sshll.u32 s28, $0x1;
	[dreg:$0x2] =	wrdreg s2  }
0xa9: {  	[dreg:$0x3] =	wrdreg s4  }
0xaa: {  	[dreg:$0x4] =	wrdreg $0xC0  }
0xab: {  	_ =	task [dreg:s6], $0x5FFFF  }
0xac: {  	[dreg:$0x1] =	wrdreg $0xFFFFFFFF  }
0xad: {  	[dreg:$0x0] =	wrdreg $0x60  }
0xae: {  	[dreg:$0x2] =	wrdreg s24  }
0xaf: {  	[dreg:$0x3] =	wrdreg $0xC3800  }
0xb0: {  	[dreg:$0x4] =	wrdreg $0xC1000  }
0xb1: {  	[dreg:$0x5] =	wrdreg $0x9  }
0xb2: {  	_ =	task.clear_ibuf [dreg:s6], $0x6FFFF;
	_ =	strace $0x90000049  }
0xb3: {  	s29 =	simm.s32 $0x9;
	_ =	strace $0x8000004B  }
0xb4: {  	_ =	swait.ge [sflag:s29], $0x1  }
0xb5: {  	[sflag:s29] =	ssyncadd.s32 $0xFFFFFFFF  }
0xb6: {  	_ =	strace $0x9000004B  }
0xb7: {  	_ =	sfence  }
0xb8: {  	s30 =	sld [smem:$0x0];
	_ =	sdelay $0x2  }
0xb9: {  	s31 =	sshll.u32 s1, $0xD;
	s1 =	sshrl.u32 s1, $0x2  }
0xba: {  	s3 =	sand.u32 $0x4000, s31;
	s1 =	sadd.s32 s1, s30  }
0xbb: {  	s0 =	sor.u32 s3, s0;
	s1 =	sshll.u32 s1, $0x11  }
0xbc: {  	s0 =	sor.u32 s1, s0  }
0xbd: {  	s0 =	sadd.s32 $0x8F2B, s0  }
0xbe: {  	[sflag:s0] =	ssyncadd.remote.s32 $0x1  }
0xbf: {  	_ =	sfence.sel $0xFFFF  }
0xc0: {  	[dreg:$0x0] =	wrdreg $0xFFFFFFFF;
	(pc) =	sbr.abs _section_cstart, $3  }
0xc1: {  	[dreg:$0x1] =	wrdreg $0xFFFFFFFF  }
0xc2: {  	_ =	task.clear_ibuf [dreg:s6], $0x2FFFF;
	_ =	strace $0x9FFFFFFF  }
0xc3: {  	(tm) =	ssettm $0x7FFFFFFF  }
tec
execute0_lowered:
.L_overlay_start_1:
0x0: {  	(tag) =	ssettag $0x1  }
0x1: {  	s1 =	rddreg [dreg:$0x0]  }
0x2: {  	s2 =	rddreg [dreg:$0x1]  }
0x3: {  	s15 =	rddreg [dreg:$0x2];
	s0 =	stileid.u32  }
0x4: {  	s5 =	srdreg.scid;
	s4 =	simm.s32 $0x0;
	s16 =	simm.s32 $0x80  }
0x5: {  	s17 =	simm.s32 $0x100;
	s21 =	simm.s32 $0x780;
	s22 =	simm.s32 $0x2  }
0x6: {  	s23 =	simm.s32 $0x50;
	s28 =	simm.s32 $0x0;
	s3 =	smul.u32 $0x500, s0  }
0x7: {  	s14 =	sand.u32 $0x1, s5;
	[smem:$0x7FF] =	sst s4;
	s9 =	smul.u32 $0x280, s0  }
0x8: {  	s13 =	sadd.s32 $0x2000, s1;
	s11 =	smul.u32 $0x2710, s0;
	s6 =	sshll.u32 s14, $0x7  }
0x9: {  	_ =	strace $0x8000004A;
	s25 =	sshll.u32 s14, $0x4;
	s8 =	ssub.s32 $0x2, s14  }
0xa: {  	s10 =	smul.u32 $0x27100, s14;
	p0 =	sne.s32 s14, $0x0;
	s24 =	sshrl.u32 s3, $0x3  }
0xb: {  	s3 =	sor.u32 s6, s3;
	s5 =	sor.u32 s0, s25;
	s26 =	sshrl.u32 s9, $0x3  }
0xc: {  	s29 =	sshrl.u32 s8, $0x1;
	s25 =	simm.s32 $0x20;
	s7 =	sadd.s32 s24, s1  }
0xd: {  	s3 =	sshrl.u32 s3, $0x3;
	s5 =	smul.u32 $0x2710, s5;
	s12 =	ssub.s32 s8, s29  }
0xe: {  	s11 =	sadd.s32 s11, s10;
	s24 =	simm.s32 $0x1;
	s3 =	sadd.s32 s3, s1  }
0xf: {  	s1 =	sadd.s32 s26, s1;
	s6 =	sadd.s32 $0x15A00, s7;
	s7 =	sadd.s32 $0x15A10, s7  }
0x10: {  	s31 =	sshrl.u32 s11, $0x3;
	s12 =	smax.u32 s12, $0x1;
	s26 =	simm.s32 $0x10  }
0x11: {  	s30 =	sshrl.u32 s5, $0x3;
	s5 =	sadd.s32 s9, s2;
	s9 =	sadd.s32 s9, s15  }
0x12: {  	s10 =	sadd.s32 $0x16E00, s1;
	s11 =	sadd.s32 $0x16400, s3;
	s8 =	sadd.s32 s13, s30  }
0x13: {  	v0 =	vimm.f32 $0.0e+00;
	s15 =	simm.s32 $0x3;
	s13 =	sadd.s32 s31, s13;
	s8 =	sadd.s32 $0x9C40, s8  }
.LBB2_1:
0x14: {  	s1 =	simm.s32 $0x5700  }
0x15: {  	s3 =	simm.s32 $0xA;
	s18 =	sadd.s32 $0x0, s13;
	s14 =	simm.s32 $0x5780  }
.LBB2_2:
0x16: {  	[tilespmem:s1], [sflag:$0x2] =	stream.linear.gather [hbm4b:s18+s4], $0x50, $0x38;
	[tilespmem:$0xC600] =	vst v63  }
0x17: {  	s18 =	smov.u32 s3;
	s1 =	smov.u32 s14;
	p1 =	sne.s32 s3, $0x4D8  }
.Ltmp0:
0x18: {  	s3 =	sadd.s32 $0xA, s3;
	(pc) =	sbr.rel @p1 .LBB2_2-.Ltmp0, $2  }
0x19: {  	_ =	sdelay $0x2  }
0x1a: {  	s14 =	sadd.s32 $0x80, s14;
	s18 =	sadd.s32 s18, s13  }
0x1b: {  	[tilespmem:s1], [sflag:$0x2] =	stream.linear.gather [hbm4b:s18+s4], $0x50, $0x38;
	[tilespmem:$0xC600] =	vst v63  }
0x1c: {  	[tilespmem:$0xBE80] =	vst v0  }
0x1d: {  	[tilespmem:$0xBE90] =	vst v0  }
0x1e: {  	[tilespmem:$0xBEA0] =	vst v0  }
0x1f: {  	[tilespmem:$0xBEB0] =	vst v0  }
0x20: {  	[tilespmem:$0xBEC0] =	vst v0  }
0x21: {  	[tilespmem:$0xBED0] =	vst v0  }
0x22: {  	[tilespmem:$0xBEE0] =	vst v0  }
0x23: {  	[tilespmem:$0xBEF0] =	vst v0  }
0x24: {  	[tilespmem:$0xBF00] =	vst v0  }
0x25: {  	[tilespmem:$0xBF10] =	vst v0  }
0x26: {  	[tilespmem:$0xBF20] =	vst v0  }
0x27: {  	[tilespmem:$0xBF30] =	vst v0  }
0x28: {  	[tilespmem:$0xBF40] =	vst v0  }
0x29: {  	[tilespmem:$0xBF50] =	vst v0  }
0x2a: {  	[tilespmem:$0xBF60] =	vst v0  }
0x2b: {  	[tilespmem:$0xBF70] =	vst v0  }
0x2c: {  	[tilespmem:$0xBF80] =	vst v0  }
0x2d: {  	[tilespmem:$0xBF90] =	vst v0  }
0x2e: {  	[tilespmem:$0xBFA0] =	vst v0  }
0x2f: {  	[tilespmem:$0xBFB0] =	vst v0  }
0x30: {  	[tilespmem:$0xBFC0] =	vst v0  }
0x31: {  	[tilespmem:$0xBFD0] =	vst v0  }
0x32: {  	[tilespmem:$0xBFE0] =	vst v0  }
0x33: {  	[tilespmem:$0xBFF0] =	vst v0  }
0x34: {  	[tilespmem:$0xC000] =	vst v0  }
0x35: {  	[tilespmem:$0xC010] =	vst v0  }
0x36: {  	[tilespmem:$0xC020] =	vst v0  }
0x37: {  	[tilespmem:$0xC030] =	vst v0  }
0x38: {  	[tilespmem:$0xC040] =	vst v0  }
0x39: {  	[tilespmem:$0xC050] =	vst v0  }
0x3a: {  	[tilespmem:$0xC060] =	vst v0  }
0x3b: {  	[tilespmem:$0xC070] =	vst v0  }
0x3c: {  	[tilespmem:$0xC080] =	vst v0  }
0x3d: {  	[tilespmem:$0xC090] =	vst v0  }
0x3e: {  	[tilespmem:$0xC0A0] =	vst v0  }
0x3f: {  	[tilespmem:$0xC0B0] =	vst v0  }
0x40: {  	[tilespmem:$0xC0C0] =	vst v0  }
0x41: {  	[tilespmem:$0xC0D0] =	vst v0  }
0x42: {  	[tilespmem:$0xC0E0] =	vst v0  }
0x43: {  	s18 =	simm.s32 $0xBE80;
	[tilespmem:$0xC0F0] =	vst v0  }
0x44: {  	[spmem:s5] =	stream.linear.scatter [tilespmem:s18], [sflag:$0x3], $0x280, $0x38;
	[tilespmem:$0xC600] =	vst v63  }
0x45: {  	_ =	swait.ge [sflag:s15], $0x280  }
0x46: {  	[sflag:s15] =	ssyncset.done $0x0  }
0x47: {  	s19 =	simm.s32 $0x0;
	[sflag:s15] =	ssyncadd.s32 $0xFFFFFD80  }
0x48: {  	[tilespmem:s19], [sflag:$0x3] =	stream.strided.gather [hbm4b:s6+s16], $0x280, s17, s16, $0x38;
	[tilespmem:$0xC600] =	vst v63  }
0x49: {  	_ =	swait.ge [sflag:s15], $0x280  }
0x4a: {  	[sflag:s15] =	ssyncset.done $0x0  }
0x4b: {  	s3 =	simm.s32 $0x280;
	[sflag:s15] =	ssyncadd.s32 $0xFFFFFD80  }
0x4c: {  	[tilespmem:s3], [sflag:$0x3] =	stream.strided.gather [hbm4b:s7+s16], $0x280, s17, s16, $0x38;
	[tilespmem:$0xC600] =	vst v63  }
0x4d: {  	_ =	swait.ge [sflag:s15], $0x280  }
0x4e: {  	[sflag:s15] =	ssyncset.done $0x0  }
0x4f: {  	s20 =	simm.s32 $0x2F80;
	[sflag:s15] =	ssyncadd.s32 $0xFFFFFD80  }
0x50: {  	[tilespmem:s20], [sflag:$0x3] =	stream.linear.gather [hbm4b:s8+s19], $0x2710, $0x38;
	[tilespmem:$0xC600] =	vst v63  }
0x51: {  	_ =	swait.ge [sflag:s15], $0x2710  }
0x52: {  	[sflag:s15] =	ssyncset.done $0x0  }
0x53: {  	s30 =	simm.s32 $0x0;
	[sflag:s15] =	ssyncadd.s32 $0xFFFFD8F0  }
0x54: {  	v1 =	vld [tilespmem:s30+$0x280]  }
0x55: {  	v2 =	vld [tilespmem:s30+$0x0];
	_ =	sdelay $0x3  }
0x56: {  	s29 =	simm.s32 $0x10  }
0x57: {  	v3 =	vld [tilespmem:s29+$0x280];
	v1 =	vadd.f32 v1, v2  }
0x58: {  	v2 =	vld [tilespmem:s29+$0x0]  }
0x59: {  	v1 =	vadd.f32 $1.000000000e+00, v1;
	_ =	sdelay $0x1  }
0x5a: {  	s31 =	simm.s32 $0x20;
	v5 =	vmul.f32 $5.000000000e-01, v1;
	v1 =	vshrl.u32 v1, $0x1  }
0x5b: {  	v4 =	vld [tilespmem:s31+$0x280];
	v1 =	vsub.s32 $0x5F3759DF, v1  }
0x5c: {  	v6 =	vld [tilespmem:s31+$0x0];
	v2 =	vadd.f32 v3, v2;
	v3 =	vmul.f32 v1, v5;
	_ =	sdelay $0x1  }
0x5d: {  	s1 =	simm.s32 $0x30;
	v2 =	vadd.f32 $1.000000000e+00, v2;
	v3 =	vmul.f32 v1, v3  }
0x5e: {  	v7 =	vld [tilespmem:s1+$0x280]  }
0x5f: {  	v8 =	vld [tilespmem:s1+$0x0];
	v9 =	vmul.f32 $5.000000000e-01, v2;
	v2 =	vshrl.u32 v2, $0x1;
	v3 =	vsub.f32 $1.500000000e+00, v3  }
0x60: {  	v4 =	vadd.f32 v4, v6;
	v2 =	vsub.s32 $0x5F3759DF, v2  }
0x61: {  	v6 =	vmul.f32 v2, v9;
	v3 =	vmul.f32 v1, v3  }
0x62: {  	v4 =	vadd.f32 $1.000000000e+00, v4  }
0x63: {  	v6 =	vmul.f32 v2, v6;
	v10 =	vmul.f32 v3, v5  }
0x64: {  	s3 =	simm.s32 $0x40;
	v7 =	vadd.f32 v7, v8;
	v1 =	vmul.f32 $5.000000000e-01, v4;
	v4 =	vshrl.u32 v4, $0x1  }
0x65: {  	v12 =	vld [tilespmem:s3+$0x0];
	v11 =	vsub.s32 $0x5F3759DF, v4;
	v6 =	vsub.f32 $1.500000000e+00, v6;
	v4 =	vmul.f32 v10, v3  }
0x66: {  	v8 =	vmul.f32 v11, v1;
	v10 =	vld [tilespmem:s3+$0x280]  }
0x67: {  	v7 =	vadd.f32 $1.000000000e+00, v7;
	v6 =	vmul.f32 v2, v6;
	v2 =	vsub.f32 $1.500000000e+00, v4  }
0x68: {  	v8 =	vmul.f32 v11, v8  }
0x69: {  	v13 =	vmul.f32 v6, v9;
	v4 =	vmul.f32 v2, v3;
	v3 =	vshrl.u32 v7, $0x1  }
0x6a: {  	v8 =	vsub.f32 $1.500000000e+00, v8;
	v2 =	vmul.f32 $5.000000000e-01, v7;
	v7 =	vsub.s32 $0x5F3759DF, v3  }
0x6b: {  	s14 =	simm.s32 $0x50;
	v3 =	vmul.f32 v13, v6;
	v10 =	vadd.f32 v10, v12;
	v13 =	vmul.f32 v4, v5  }
0x6c: {  	v14 =	vld [tilespmem:s14+$0x0];
	v12 =	vmul.f32 v7, v2;
	v5 =	vmul.f32 v11, v8  }
0x6d: {  	v3 =	vsub.f32 $1.500000000e+00, v3;
	v11 =	vadd.f32 $1.000000000e+00, v10;
	v10 =	vld [tilespmem:s14+$0x280];
	v8 =	vmul.f32 v13, v4  }
0x6e: {  	v12 =	vmul.f32 v7, v12;
	v15 =	vmul.f32 v5, v1  }
0x6f: {  	v3 =	vmul.f32 v3, v6;
	v6 =	vmul.f32 $5.000000000e-01, v11  }
0x70: {  	v11 =	vshrl.u32 v11, $0x1;
	v8 =	vsub.f32 $1.500000000e+00, v8;
	v13 =	vsub.f32 $1.500000000e+00, v12  }
0x71: {  	s18 =	simm.s32 $0x60;
	s19 =	simm.s32 $0x1C0;
	v12 =	vsub.s32 $0x5F3759DF, v11;
	v11 =	vmul.f32 v15, v5;
	v9 =	vmul.f32 v3, v9  }
.LBB2_4:
0x72: {  	s20 =	sshra.s32 s19, $0x2;
	p1 =	sne.s32 s19, $0x9C0;
	s19 =	sadd.s32 $0x40, s19;
	v15 =	vadd.f32 v10, v14;
	v10 =	vld [tilespmem:s18+$0x280];
	v16 =	vmul.f32 v12, v6;
	v13 =	vmul.f32 v7, v13;
	v17 =	vmovc v6  }
.Ltmp1:
0x73: {  	v7 =	vmovc v12;
	v14 =	vld [tilespmem:s18+$0x0];
	v6 =	vsub.f32 $1.500000000e+00, v11;
	v9 =	vmul.f32 v9, v3;
	v11 =	vmul.f32 v8, v4;
	v4 =	vmovc v3;
	(pc) =	sbr.rel @p1 .LBB2_4-.Ltmp1, $4  }
0x74: {  	v12 =	vadd.f32 $1.000000000e+00, v15;
	v15 =	vmul.f32 v7, v16;
	v16 =	vmul.f32 v13, v2  }
0x75: {  	v3 =	vmul.f32 v6, v5;
	v8 =	vsub.f32 $1.500000000e+00, v9;
	[tilespmem:s30+$0x500] =	vst v11;
	v5 =	vmov v13;
	s30 =	smov.u32 s29;
	s29 =	smov.u32 s31;
	s31 =	smov.u32 s1  }
0x76: {  	s1 =	smov.u32 s3;
	s3 =	smov.u32 s14;
	s14 =	smov.u32 s18;
	v6 =	vmul.f32 $5.000000000e-01, v12;
	v9 =	vshrl.u32 v12, $0x1;
	v13 =	vsub.f32 $1.500000000e+00, v15  }
0x77: {  	s18 =	smov.u32 s20;
	v11 =	vmul.f32 v16, v5;
	v12 =	vsub.s32 $0x5F3759DF, v9;
	v9 =	vmul.f32 v3, v1;
	v1 =	vmovc v2;
	v2 =	vmovc v17  }
0x78: {  	v15 =	vld [tilespmem:s18+$0x280]  }
0x79: {  	v16 =	vld [tilespmem:s18+$0x0];
	_ =	sdelay $0x3  }
0x7a: {  	v10 =	vadd.f32 v10, v14  }
0x7b: {  	v46 =	vadd.f32 v15, v16  }
0x7c: {  	v10 =	vadd.f32 $1.000000000e+00, v10  }
0x7d: {  	v14 =	vadd.f32 $1.000000000e+00, v46  }
0x7e: {  	v47 =	vmul.f32 v12, v6;
	v48 =	vmul.f32 $5.000000000e-01, v10;
	v10 =	vshrl.u32 v10, $0x1  }
0x7f: {  	v10 =	vsub.s32 $0x5F3759DF, v10;
	v17 =	vmul.f32 $5.000000000e-01, v14;
	v14 =	vshrl.u32 v14, $0x1  }
0x80: {  	v18 =	vmul.f32 v10, v48;
	v14 =	vsub.s32 $0x5F3759DF, v14  }
0x81: {  	v15 =	vmul.f32 v12, v47;
	v19 =	vmul.f32 v14, v17  }
0x82: {  	v18 =	vmul.f32 v10, v18  }
0x83: {  	v7 =	vmul.f32 v7, v13;
	v15 =	vsub.f32 $1.500000000e+00, v15;
	v49 =	vmul.f32 v14, v19  }
0x84: {  	v4 =	vmul.f32 v8, v4;
	v11 =	vsub.f32 $1.500000000e+00, v11;
	v51 =	vsub.f32 $1.500000000e+00, v18  }
0x85: {  	v52 =	vmul.f32 v7, v2;
	v50 =	vmul.f32 v12, v15;
	v13 =	vsub.f32 $1.500000000e+00, v49  }
0x86: {  	v5 =	vmul.f32 v11, v5;
	v10 =	vmul.f32 v10, v51  }
0x87: {  	v53 =	vmul.f32 v50, v6;
	v13 =	vmul.f32 v14, v13  }
0x88: {  	v8 =	vmul.f32 v52, v7;
	v55 =	vmul.f32 v10, v48  }
0x89: {  	v54 =	vmul.f32 v53, v50;
	v56 =	vmul.f32 v13, v17  }
0x8a: {  	v8 =	vsub.f32 $1.500000000e+00, v8;
	v15 =	vmul.f32 v55, v10  }
0x8b: {  	v1 =	vmul.f32 v5, v1;
	v14 =	vsub.f32 $1.500000000e+00, v54;
	v11 =	vmul.f32 v56, v13  }
0x8c: {  	v9 =	vmul.f32 v9, v3;
	v7 =	vmul.f32 v8, v7;
	v58 =	vsub.f32 $1.500000000e+00, v15  }
0x8d: {  	v1 =	vmul.f32 v1, v5;
	v57 =	vmul.f32 v14, v50;
	v11 =	vsub.f32 $1.500000000e+00, v11  }
0x8e: {  	v2 =	vmul.f32 v7, v2;
	v10 =	vmul.f32 v58, v10  }
0x8f: {  	v59 =	vmul.f32 v57, v6;
	v11 =	vmul.f32 v11, v13  }
0x90: {  	v9 =	vsub.f32 $1.500000000e+00, v9;
	v2 =	vmul.f32 v2, v7;
	v12 =	vmul.f32 v10, v48  }
0x91: {  	v1 =	vsub.f32 $1.500000000e+00, v1;
	v6 =	vmul.f32 v59, v57;
	v13 =	vmul.f32 v11, v17  }
0x92: {  	v3 =	vmul.f32 v9, v3;
	v2 =	vsub.f32 $1.500000000e+00, v2;
	v60 =	vmul.f32 v12, v10  }
0x93: {  	[tilespmem:s30+$0x500] =	vst v4;
	v1 =	vmul.f32 v1, v5;
	v61 =	vsub.f32 $1.500000000e+00, v6;
	v62 =	vmul.f32 v13, v11  }
0x94: {  	[tilespmem:s29+$0x500] =	vst v3;
	v2 =	vmul.f32 v2, v7;
	v3 =	vsub.f32 $1.500000000e+00, v60  }
0x95: {  	[tilespmem:s31+$0x500] =	vst v1;
	v1 =	vmul.f32 v61, v57;
	v63 =	vsub.f32 $1.500000000e+00, v62  }
0x96: {  	[tilespmem:s1+$0x500] =	vst v2;
	v2 =	vmul.f32 v3, v10  }
0x97: {  	[tilespmem:s3+$0x500] =	vst v1;
	v1 =	vmul.f32 v63, v11  }
0x98: {  	[tilespmem:s14+$0x500] =	vst v2  }
0x99: {  	s30 =	simm.s32 $0x500;
	[tilespmem:s18+$0x500] =	vst v1  }
0x9a: {  	[spmem:s9] =	stream.linear.scatter [tilespmem:s30], [sflag:$0x3], $0x280, $0x38;
	[tilespmem:$0xC600] =	vst v63  }
0x9b: {  	_ =	swait.ge [sflag:s15], $0x280  }
0x9c: {  	[sflag:s15] =	ssyncset.done $0x0  }
0x9d: {  	s1 =	simm.s32 @!p0 $0x0;
	s3 =	simm.s32 @!p0 $0x500;
	[sflag:s15] =	ssyncadd.s32 $0xFFFFFD80  }
0x9e: {  	[hbm4b:s10+s1] =	stream.linear.scatter @!p0 [tilespmem:s3], [sflag:$0x3], $0x280, $0x38;
	[tilespmem:$0xC600] =	vst v63  }
0x9f: {  	s1 =	simm.s32 @!p0 $0x3  }
0xa0: {  	_ =	swait.ge @!p0 [sflag:s1], $0x280  }
0xa1: {  	[sflag:s1] =	ssyncset.done @!p0 $0x0  }
0xa2: {  	[sflag:s1] =	ssyncadd.s32 @!p0 $0xFFFFFD80  }
0xa3: {  	[bflag:$0x0] =	sbarrier.arrive $0xFFFF  }
0xa4: {  	s31 =	rddreg [dreg:$0x2]  }
0xa5: {  	[tilespmem:s21], [sflag:$0x3] =	stream.linear.gather [spmem:s31], $0x2800, $0x38;
	[tilespmem:$0xC600] =	vst v63  }
0xa6: {  	_ =	swait.ge [sflag:s15], $0x2800  }
0xa7: {  	[sflag:s15] =	ssyncset.done $0x0  }
0xa8: {  	s1 =	simm.s32 $0x7D;
	[sflag:s15] =	ssyncadd.s32 $0xFFFFD800  }
.LBB2_6:
0xa9: {  	p1 =	sne.s32 s1, $0x1  }
.Ltmp2:
0xaa: {  	_ = 	snop;
	(pc) =	sbr.rel @p1 .LBB2_6-.Ltmp2, $4  }
0xab: {  	_ = 	snop  }
0xac: {  	_ =	swait.ge [sflag:s22], $0x50  }
0xad: {  	[sflag:s22] =	ssyncset.done $0x0  }
0xae: {  	s1 =	sadd.s32 $0xFFFFFFFF, s1;
	[sflag:s22] =	ssyncadd.s32 $0xFFFFFFB0  }
0xaf: {  	s3 =	simm.s32 $0x0  }
0xb0: {  	v1 =	vld [tilespmem:s3+$0x2F80];
	_ =	sdelay $0x5  }
0xb1: {  	v2 =	vld [tilespmem:s3+$0x2F90];
	_ =	sdelay $0x1  }
0xb2: {  	v1 =	vld.idx.msk [tilespmem:v1+s21+$0x0], $0xffff;
	_ =	sdelay $0x3  }
0xb3: {  	v3 =	vld [tilespmem:s3+$0x2FA0]  }
0xb4: {  	[tilespmem:s3+$0x9700] =	vst v1  }
0xb5: {  	v1 =	vld.idx.msk [tilespmem:v2+s21+$0x0], $0xffff;
	_ =	sdelay $0x3  }
0xb6: {  	v2 =	vld [tilespmem:s3+$0x2FB0]  }
0xb7: {  	[tilespmem:s3+$0x9710] =	vst v1  }
0xb8: {  	v1 =	vld.idx.msk [tilespmem:v3+s21+$0x0], $0xffff;
	_ =	sdelay $0x3  }
0xb9: {  	v3 =	vld [tilespmem:s3+$0x2FC0]  }
0xba: {  	[tilespmem:s3+$0x9720] =	vst v1  }
0xbb: {  	v1 =	vld.idx.msk [tilespmem:v2+s21+$0x0], $0xffff;
	_ =	sdelay $0x4  }
0xbc: {  	[tilespmem:s3+$0x9730] =	vst v1  }
0xbd: {  	v1 =	vld.idx.msk [tilespmem:v3+s21+$0x0], $0xffff;
	_ =	sdelay $0x4  }
0xbe: {  	s1 =	simm.s32 $0x5700;
	s14 =	simm.s32 $0x9700;
	[tilespmem:s3+$0x9740] =	vst v1;
	s3 =	simm.s32 $0x50  }
0xbf: {  	[spmem:s2] =	stream.indirect.scatter.add.f32 [tilespmem:s14], [sflag:$0x1], $0x1, s1, s23, $0xb8;
	[tilespmem:$0xC600] =	vst v63  }
0xc0: {  	s14 =	simm.s32 $0x280;
	v1 =	vld [tilespmem:s3+$0x2F80]  }
.LBB2_8:
0xc1: {  	p1 =	sne.s32 s14, $0x9B00;
	_ =	sdelay $0x5  }
0xc2: {  	v2 =	vld [tilespmem:s3+$0x2F90]  }
0xc3: {  	v1 =	vld.idx.msk [tilespmem:v1+s21+$0x0], $0xffff;
	_ =	sdelay $0x5  }
0xc4: {  	[tilespmem:s3+$0x9700] =	vst v1;
	v1 =	vld [tilespmem:s3+$0x2FA0]  }
0xc5: {  	v2 =	vld.idx.msk [tilespmem:v2+s21+$0x0], $0xffff;
	_ =	sdelay $0x5  }
0xc6: {  	[tilespmem:s3+$0x9710] =	vst v2;
	v2 =	vld [tilespmem:s3+$0x2FB0]  }
0xc7: {  	v1 =	vld.idx.msk [tilespmem:v1+s21+$0x0], $0xffff;
	_ =	sdelay $0x5  }
0xc8: {  	[tilespmem:s3+$0x9720] =	vst v1;
	v1 =	vld [tilespmem:s3+$0x2FC0]  }
0xc9: {  	v2 =	vld.idx.msk [tilespmem:v2+s21+$0x0], $0xffff;
	_ =	sdelay $0x5  }
0xca: {  	[tilespmem:s3+$0x9730] =	vst v2  }
0xcb: {  	v1 =	vld.idx.msk [tilespmem:v1+s21+$0x0], $0xffff;
	_ =	sdelay $0x2  }
.Ltmp3:
0xcc: {  	(pc) =	sbr.rel @p1 .LBB2_8-.Ltmp3, $4  }
0xcd: {  	_ = 	snop  }
0xce: {  	s18 =	sshra.s32 s14, $0x2;
	s19 =	sadd.s32 $0x9700, s3;
	s1 =	sadd.s32 $0x80, s1  }
0xcf: {  	[tilespmem:s3+$0x9740] =	vst v1;
	[spmem:s2] =	stream.indirect.scatter.add.f32 [tilespmem:s19], [sflag:$0x1], $0x1, s1, s23, $0xb8  }
0xd0: {  	s14 =	sadd.s32 $0x140, s14;
	s3 =	smov.u32 s18;
	v1 =	vld [tilespmem:s18+$0x2F80]  }
0xd1: {  	_ =	sdelay $0x6  }
0xd2: {  	v2 =	vld [tilespmem:s3+$0x2F90]  }
0xd3: {  	v1 =	vld.idx.msk [tilespmem:v1+s21+$0x0], $0xffff;
	_ =	sdelay $0x4  }
0xd4: {  	[tilespmem:s3+$0x9700] =	vst v1;
	v1 =	vld [tilespmem:s3+$0x2FA0];
	_ =	sdelay $0x1  }
0xd5: {  	v2 =	vld.idx.msk [tilespmem:v2+s21+$0x0], $0xffff;
	_ =	sdelay $0x4  }
0xd6: {  	[tilespmem:s3+$0x9710] =	vst v2;
	v2 =	vld [tilespmem:s3+$0x2FB0]  }
0xd7: {  	v1 =	vld.idx.msk [tilespmem:v1+s21+$0x0], $0xffff;
	_ =	sdelay $0x4  }
0xd8: {  	[tilespmem:s3+$0x9720] =	vst v1;
	v1 =	vld [tilespmem:s3+$0x2FC0];
	_ =	sdelay $0x1  }
0xd9: {  	v2 =	vld.idx.msk [tilespmem:v2+s21+$0x0], $0xffff;
	_ =	sdelay $0x4  }
0xda: {  	[tilespmem:s3+$0x9730] =	vst v2  }
0xdb: {  	v1 =	vld.idx.msk [tilespmem:v1+s21+$0x0], $0xffff;
	_ =	sdelay $0x4  }
0xdc: {  	s14 =	sadd.s32 $0x9700, s3;
	s1 =	sadd.s32 $0x80, s1;
	[tilespmem:s3+$0x9740] =	vst v1  }
0xdd: {  	[spmem:s2] =	stream.indirect.scatter.add.f32 [tilespmem:s14], [sflag:$0x1], $0x1, s1, s23, $0xb8;
	[tilespmem:$0xC600] =	vst v63  }
0xde: {  	_ =	swait.ge [sflag:s24], $0x50  }
0xdf: {  	s1 =	simm.s32 $0x7C;
	[sflag:s24] =	ssyncset.done $0x0  }
.LBB2_10:
0xe0: {  	p1 =	sne.s32 s1, $0x1;
	s1 =	sadd.s32 $0xFFFFFFFF, s1;
	[sflag:s24] =	ssyncadd.s32 $0xFFFFFFB0  }
.Ltmp4:
0xe1: {  	(pc) =	sbr.rel @p1 .LBB2_10-.Ltmp4, $3  }
0xe2: {  	_ =	sdelay $0x1  }
0xe3: {  	_ =	swait.ge [sflag:s24], $0x50  }
0xe4: {  	[sflag:s24] =	ssyncset.done $0x0  }
0xe5: {  	[sflag:s24] =	ssyncadd.s32 $0xFFFFFFB0;
	s28 =	sadd.s32 $0x1, s28  }
0xe6: {  	s1 =	sshll.u32 s0, $0x6;
	s3 =	sshrl.u32 s5, $0x3;
	p1 =	sne.s32 s28, s12  }
.Ltmp5:
0xe7: {  	[bflag:$0x0] =	sbarrier.arrive $0xFFFF;
	s1 =	sor.u32 $0x1C03, s1;
	(pc) =	sbr.rel @p1 .LBB2_1-.Ltmp5, $4  }
0xe8: {  	[hbm:s11@s25], [sflag:s1] =	dma.strided [spmem:s3@s26], $0x50, s24, $0x10   }
0xe9: {  	_ =	swait.ge [sflag:s15], $0x50  }
0xea: {  	[sflag:s15] =	ssyncset.done $0x0  }
0xeb: {  	[sflag:s15] =	ssyncadd.s32 $0xFFFFFFB0  }
0xec: {  	_ =	sfence.sel $0x180000  }
0xed: {  	[bflag:$0x0] =	sbarrier.arrive $0xFFFF  }
0xee: {  	_ =	strace $0x9000004A  }
0xef: {  	[bflag:$0x2] =	sbarrier.arrive $0xFFFF  }
0xf0: {  	p0 =	sne.s32 s0, $0x0;
	s0 =	rddreg [dreg:$0x3]  }
0xf1: {  	s0 =	sadd.s32 @!p0 $0x100000, s0  }
0xf2: {  	[sflag:s0] =	ssyncadd.tile.s32 @!p0 $0x1;
	_ =	shalt  }
.Lfunc_end2:
_tile_overlayer_lowered:
.L_overlay_start_2:
0xf3: {  	(tag) =	ssettag $0x2  }
0xf4: {  	s0 =	rddreg [dreg:$0x0];
	s2 =	stileid.u32  }
0xf5: {  	s1 =	rddreg [dreg:$0x1];
	p0 =	sne.s32 s2, $0x0  }
0xf6: {  	s3 =	rddreg [dreg:$0x2];
	[bflag:$0x3] =	sbarrier.arrive $0xFFFF;
	s2 =	simm.s32 @!p0 $0x1C03  }
0xf7: {  	[timem:s3], [sflag:s2] =	dma.local @!p0 [hbm:s0], s1  }
0xf8: {  	s0 =	simm.s32 @!p0 $0x3  }
0xf9: {  	_ =	swait.ge @!p0 [sflag:s0], s1  }
0xfa: {  	s1 =	ssub.s32 @!p0 $0x0, s1;
	[sflag:s0] =	ssyncset.done @!p0 $0x0  }
0xfb: {  	[sflag:s0] =	ssyncadd.s32 @!p0 s1  }
0xfc: {  	[bflag:$0x3] =	sbarrier.arrive $0xFFFF  }
0xfd: {  	_ =	shalt  }

</sc_bundles>
